<compile_context>
chip_gen: v7x
topology: tpu7x:2x2x1
jax: 0.10.2.dev20260603
libtpu: 0.0.44.dev20260713+nightly
codegen_flags: <defaults>
</compile_context>

<pallas_src>
import functools

import jax
import jax.numpy as jnp
from jax import lax
from jax.experimental import pallas as pl
from jax.experimental.pallas import tpu as pltpu
from jax.experimental.pallas import tpu_sc as plsc

_C = 384
_P = 576
_K = _C // 2
_NCHUNK = 3
_PC = _P // _NCHUNK
_SC_ITERS = 6
_TC_ITERS = 7
_CU = 8
_GB = 4
_SC_IMGS = 10
_SC_ROWS = _SC_IMGS + 1


def _gate_body(w_ref, x_ref, fw_ref, mm_ref):
    for i in range(_GB):
        xb = x_ref[i]
        y = jnp.mean(xb, axis=1, keepdims=True)
        z = jnp.zeros((1, 1), dtype=y.dtype)
        y_prev = jnp.concatenate([z, y[:-1]], axis=0)
        y_next = jnp.concatenate([y[1:], z], axis=0)
        conv = y_prev * w_ref[0] + y * w_ref[1] + y_next * w_ref[2]
        att = jax.nn.sigmoid(conv)
        fw = xb * att
        for j in range(_NCHUNK):
            fw_ref[i, j] = fw[:, j * _PC:(j + 1) * _PC]

        lo = jnp.min(fw, axis=0, keepdims=True)
        hi = jnp.max(fw, axis=0, keepdims=True)
        mm_ref[i, 0:1] = lo - (jnp.abs(lo) * 0.01 + 1e-30)
        mm_ref[i, 1:2] = hi + (jnp.abs(hi) * 0.01 + 1e-30)


def _sc_topk_body(fw_hbm, mm_hbm, out_hbm, buf, mmbuf, obuf):
    wid = lax.axis_index("s") * 2 + lax.axis_index("c")
    img = wid // _NCHUNK
    ch = wid - img * _NCHUNK

    kf = jnp.float32(float(_K))
    inv_k = jnp.float32(1.0 / _K)
    one = jnp.full((16,), 1.0, jnp.float32)
    zero = jnp.zeros((16,), jnp.float32)
    half = jnp.float32(0.5)
    zf = jnp.zeros((16,), jnp.float32)

    pltpu.sync_copy(mm_hbm.at[img], mmbuf)
    pltpu.sync_copy(fw_hbm.at[img, ch], buf)
    base_p = ch * _PC

    def group_body(g, carry):
        sl = pl.ds(g * 16, 16)
        slp = pl.ds(base_p + g * 16, 16)
        lo = mmbuf[0, slp]
        hi = mmbuf[1, slp]

        def bstep(_, lohi):
            lo, hi = lohi
            mid = (lo + hi) * half

            def cs(i, accs):
                c0, c1, c2, c3 = accs
                base = i * _CU
                for u in range(0, _CU, 4):
                    v0 = buf[base + u, sl]
                    v1 = buf[base + u + 1, sl]
                    v2 = buf[base + u + 2, sl]
                    v3 = buf[base + u + 3, sl]
                    c0 = jnp.where(v0 >= mid, c0 + one, c0)
                    c1 = jnp.where(v1 >= mid, c1 + one, c1)
                    c2 = jnp.where(v2 >= mid, c2 + one, c2)
                    c3 = jnp.where(v3 >= mid, c3 + one, c3)
                return c0, c1, c2, c3

            c0, c1, c2, c3 = lax.fori_loop(
                0, _C // _CU, cs, (zero, zero, zero, zero))
            cnt = (c0 + c1) + (c2 + c3)
            pred = cnt >= kf
            return jnp.where(pred, mid, lo), jnp.where(pred, hi, mid)

        lo, hi = lax.fori_loop(0, _SC_ITERS, bstep, (lo, hi))
        t = lo

        def rs(i, accs):
            s0, s1, s2, s3 = accs
            base = i * 4
            s0 = s0 + jnp.maximum(buf[base, sl] - t, 0.0)
            s1 = s1 + jnp.maximum(buf[base + 1, sl] - t, 0.0)
            s2 = s2 + jnp.maximum(buf[base + 2, sl] - t, 0.0)
            s3 = s3 + jnp.maximum(buf[base + 3, sl] - t, 0.0)
            return s0, s1, s2, s3

        s0, s1, s2, s3 = lax.fori_loop(0, _C // 4, rs, (zf, zf, zf, zf))
        obuf[sl] = (((s0 + s1) + (s2 + s3)) + kf * t) * inv_k
        return carry

    lax.fori_loop(0, _PC // 16, group_body, 0)

    pltpu.sync_copy(obuf, out_hbm.at[img, ch])


def _tc_topk_body(fw_ref, mm_ref, out_ref):
    kf = jnp.float32(float(_K))
    inv_k = jnp.float32(1.0 / _K)
    for j in range(_NCHUNK):
        v = fw_ref[0, j]
        lo = mm_ref[0, 0:1, j * _PC:(j + 1) * _PC]
        hi = mm_ref[0, 1:2, j * _PC:(j + 1) * _PC]

        def bstep(_, lohi):
            lo, hi = lohi
            mid = (lo + hi) * 0.5
            cnt = jnp.sum((v >= mid).astype(jnp.float32), axis=0,
                          keepdims=True)
            pred = cnt >= kf
            return jnp.where(pred, mid, lo), jnp.where(pred, hi, mid)

        lo, hi = lax.fori_loop(0, _TC_ITERS, bstep, (lo, hi))
        t = lo
        s = jnp.sum(jnp.maximum(v - t, 0.0), axis=0, keepdims=True)
        out_ref[0, 0, j * _PC:(j + 1) * _PC] = (((s + kf * t) * inv_k))[0]


def kernel(x, w):
    B, C, H, W = x.shape
    P = H * W
    xr = x.reshape(B, C, P)
    fw, mm = pl.pallas_call(
        _gate_body,
        grid=(B // _GB,),
        in_specs=[
            pl.BlockSpec(memory_space=pltpu.SMEM),
            pl.BlockSpec((_GB, C, P), lambda b: (b, 0, 0)),
        ],
        out_specs=[
            pl.BlockSpec((_GB, _NCHUNK, C, _PC), lambda b: (b, 0, 0, 0)),
            pl.BlockSpec((_GB, 2, P), lambda b: (b, 0, 0)),
        ],
        out_shape=[
            jax.ShapeDtypeStruct((B, _NCHUNK, C, _PC), jnp.float32),
            jax.ShapeDtypeStruct((B, 2, P), jnp.float32),
        ],
    )(w, xr)

    mesh = plsc.VectorSubcoreMesh(core_axis_name="c", subcore_axis_name="s")
    sc_topk = functools.partial(
        pl.kernel,
        out_type=jax.ShapeDtypeStruct((_SC_ROWS, _NCHUNK, _PC), jnp.float32),
        mesh=mesh,
        scratch_types=[
            pltpu.VMEM((_C, _PC), jnp.float32),
            pltpu.VMEM((2, _P), jnp.float32),
            pltpu.VMEM((_PC,), jnp.float32),
        ],
    )(_sc_topk_body)
    sc_out = sc_topk(fw, mm)

    n_tc = B - _SC_IMGS
    tc_out = pl.pallas_call(
        _tc_topk_body,
        grid=(n_tc,),
        in_specs=[
            pl.BlockSpec((1, _NCHUNK, C, _PC), lambda b: (b + _SC_IMGS, 0, 0, 0)),
            pl.BlockSpec((1, 2, P), lambda b: (b + _SC_IMGS, 0, 0)),
        ],
        out_specs=pl.BlockSpec((1, 1, P), lambda b: (b, 0, 0)),
        out_shape=jax.ShapeDtypeStruct((n_tc, 1, P), jnp.float32),
    )(fw, mm)

    out = jnp.concatenate(
        [sc_out.reshape(_SC_ROWS, P)[:_SC_IMGS], tc_out.reshape(n_tc, P)],
        axis=0)
    return out.reshape(B, H, W)

# --- scband reference (transcript-rebuilt; emitter-appended) ---
"""Pipeline reference for scband-ptap-17703855194725 (READ-ONLY COPY).

The authoritative reference and input builder live on the scoring server;
editing this copy changes nothing except your own understanding.
"""

import jax, jax.numpy as jnp
import numpy as np

CHANNEL_SIZE = 384
K_SIZE = 3

def setup_inputs(seed: int = 0) -> dict:
    key = jax.random.key(seed)
    k1, k2 = jax.random.split(key)
    x = jax.random.normal(k1, (32, CHANNEL_SIZE, 24, 24), dtype=jnp.float32)
    # Conv1d(1, 1, kernel_size=3, bias=False) weight, flattened to [3]
    w = jax.random.normal(k2, (K_SIZE,), dtype=jnp.float32) * 0.5
    return {"x": x, "w": w}

def reference(x, w):
    B, C, H, W = x.shape
    k = int(C * 0.5)
    # ChannelAttention (ECA):
    # 1) AdaptiveAvgPool2d(1): global average over spatial dims -> [B, C]
    y = jnp.mean(x, axis=(2, 3))
    # 2) Conv1d over channel dim, 1 in/out channel, kernel 3, pad 1, no bias
    #    (cross-correlation, matching torch Conv1d)
    ypad = jnp.pad(y, ((0, 0), (1, 1)))
    conv = ypad[:, 0:C] * w[0] + ypad[:, 1:C + 1] * w[1] + ypad[:, 2:C + 2] * w[2]
    # 3) sigmoid gate, broadcast-multiply
    att = jax.nn.sigmoid(conv)  # [B, C]
    Fw = x * att[:, :, None, None]
    # PTAP: sort channels descending per pixel, average top-k
    Fw_sorted = jnp.flip(jnp.sort(Fw, axis=1), axis=1)
    out = jnp.sum(Fw_sorted[:, :k, :, :], axis=1) / k
    return out

if __name__ == "__main__":
    import jax
    _d = setup_inputs()
    print(jax.jit(kernel)(*tuple(_d.values())))

</pallas_src>

<mosaic_0001>
#map = affine_map<(d0, d1) -> (0, 0, 0, 0)>
#map1 = affine_map<(d0, d1) -> (0, 0, 0)>
module attributes {stable_mosaic.version = 14 : i64} {
  func.func @_sc_topk_body(%arg0: i32, %arg1: i32, %arg2: memref<32x3x384x192xf32, #tpu.memory_space<hbm>>, %arg3: memref<32x2x576xf32, #tpu.memory_space<hbm>>, %arg4: memref<11x3x192xf32, #tpu.memory_space<hbm>>, %arg5: memref<384x192xf32, #tpu.memory_space<vmem>>, %arg6: memref<2x576xf32, #tpu.memory_space<vmem>>, %arg7: memref<192xf32, #tpu.memory_space<vmem>>) attributes {dimension_semantics = [#tpu.dimension_semantics<core_parallel>, #tpu.dimension_semantics<subcore_parallel>], iteration_bounds = array<i64: 2, 16>, scalar_prefetch = 0 : i64, scratch_operands = 3 : i64, tpu.core_type = #tpu.core_type<sc_vector_subcore>, window_params = [{transform_indices = #map}, {transform_indices = #map1}, {transform_indices = #map1}]} {
    %mul3A = arith.constant 2 : i32
    %mul3A_0 = arith.muli %arg1, %mul3A : i32
    %add3A = arith.addi %mul3A_0, %arg0 : i32
    %jit3A = arith.constant 3 : i32
    %div3A = arith.divsi %add3A, %jit3A : i32
    %sign3A = arith.constant 0 : i32
    %sign3A_1 = arith.cmpi sgt, %add3A, %sign3A : i32
    %sign3A_2 = arith.extui %sign3A_1 : i1 to i32
    %sign3A_3 = arith.constant 0 : i32
    %sign3A_4 = arith.cmpi slt, %add3A, %sign3A_3 : i32
    %sign3A_5 = arith.extui %sign3A_4 : i1 to i32
    %sign3A_6 = arith.subi %sign3A_2, %sign3A_5 : i32
    %sign3A_7 = arith.constant 0 : i32
    %sign3A_8 = arith.cmpi sgt, %jit3A, %sign3A_7 : i32
    %sign3A_9 = arith.extui %sign3A_8 : i1 to i32
    %sign3A_10 = arith.constant 0 : i32
    %sign3A_11 = arith.cmpi slt, %jit3A, %sign3A_10 : i32
    %sign3A_12 = arith.extui %sign3A_11 : i1 to i32
    %sign3A_13 = arith.subi %sign3A_9, %sign3A_12 : i32
    %ne3A = arith.cmpi ne, %sign3A_6, %sign3A_13 : i32
    %rem3A = arith.remsi %add3A, %jit3A : i32
    %ne3A_14 = arith.constant 0 : i32
    %ne3A_15 = arith.cmpi ne, %rem3A, %ne3A_14 : i32
    %and3A = arith.andi %ne3A, %ne3A_15 : i1
    %sub3A = arith.constant 1 : i32
    %sub3A_16 = arith.subi %div3A, %sub3A : i32
    %select_n3A = arith.select %and3A, %sub3A_16, %div3A : i32
    %mul3A_17 = arith.constant 3 : i32
    %mul3A_18 = arith.muli %select_n3A, %mul3A_17 : i32
    %sub3A_19 = arith.subi %add3A, %mul3A_18 : i32
    %broadcast_in_dim3A = arith.constant 1.000000e+00 : f32
    %broadcast_in_dim3A_20 = vector.broadcast %broadcast_in_dim3A : f32 to vector<16xf32>
    %broadcast_in_dim3A_21 = arith.constant 0.000000e+00 : f32
    %broadcast_in_dim3A_22 = vector.broadcast %broadcast_in_dim3A_21 : f32 to vector<16xf32>
    %broadcast_in_dim3A_23 = arith.constant 0.000000e+00 : f32
    %broadcast_in_dim3A_24 = vector.broadcast %broadcast_in_dim3A_23 : f32 to vector<16xf32>
    "tpu.region"() ({
      %run_scoped3A = tpu.sem_alloc : memref<!tpu.dma_semaphore, #tpu.memory_space<semaphore_mem>>
      %dma_start3A = arith.constant 0 : i32
      %dma_start3A_35 = arith.constant 0 : i32
      %dma_start3A_36 = tpu.memref_slice %arg3[%select_n3A, %dma_start3A, %dma_start3A_35] : memref<32x2x576xf32, #tpu.memory_space<hbm>> -> memref<1x2x576xf32, #tpu.memory_space<hbm>>
      %dma_start3A_37 = tpu.memref_squeeze %dma_start3A_36 : memref<1x2x576xf32, #tpu.memory_space<hbm>> -> memref<2x576xf32, #tpu.memory_space<hbm>>
      %dma_start3A_38 = arith.constant 0 : i32
      %dma_start3A_39 = arith.constant 0 : i32
      %dma_start3A_40 = tpu.memref_slice %arg3[%select_n3A, %dma_start3A_38, %dma_start3A_39] : memref<32x2x576xf32, #tpu.memory_space<hbm>> -> memref<1x2x576xf32, #tpu.memory_space<hbm>>
      %dma_start3A_41 = tpu.memref_squeeze %dma_start3A_40 : memref<1x2x576xf32, #tpu.memory_space<hbm>> -> memref<2x576xf32, #tpu.memory_space<hbm>>
      tpu.enqueue_dma source(%dma_start3A_41 : memref<2x576xf32, #tpu.memory_space<hbm>>) target(%arg6 : memref<2x576xf32, #tpu.memory_space<vmem>>) target_semaphore(%run_scoped3A : memref<!tpu.dma_semaphore, #tpu.memory_space<semaphore_mem>>)
      %dma_wait3A = arith.constant 0 : i32
      %dma_wait3A_42 = arith.constant 0 : i32
      %dma_wait3A_43 = tpu.memref_slice %arg3[%select_n3A, %dma_wait3A, %dma_wait3A_42] : memref<32x2x576xf32, #tpu.memory_space<hbm>> -> memref<1x2x576xf32, #tpu.memory_space<hbm>>
      %dma_wait3A_44 = tpu.memref_squeeze %dma_wait3A_43 : memref<1x2x576xf32, #tpu.memory_space<hbm>> -> memref<2x576xf32, #tpu.memory_space<hbm>>
      %dma_wait3A_45 = arith.constant 0 : i32
      %dma_wait3A_46 = arith.constant 0 : i32
      %dma_wait3A_47 = tpu.memref_slice %arg3[%select_n3A, %dma_wait3A_45, %dma_wait3A_46] : memref<32x2x576xf32, #tpu.memory_space<hbm>> -> memref<1x2x576xf32, #tpu.memory_space<hbm>>
      %dma_wait3A_48 = tpu.memref_squeeze %dma_wait3A_47 : memref<1x2x576xf32, #tpu.memory_space<hbm>> -> memref<2x576xf32, #tpu.memory_space<hbm>>
      tpu.wait_dma2 semaphore(%run_scoped3A : memref<!tpu.dma_semaphore, #tpu.memory_space<semaphore_mem>>) src(%dma_wait3A_48 : memref<2x576xf32, #tpu.memory_space<hbm>>) dst(%arg6 : memref<2x576xf32, #tpu.memory_space<vmem>>)
      tpu.yield
    }) : () -> ()
    "tpu.region"() ({
      %run_scoped3A = tpu.sem_alloc : memref<!tpu.dma_semaphore, #tpu.memory_space<semaphore_mem>>
      %dma_start3A = arith.constant 0 : i32
      %dma_start3A_35 = arith.constant 0 : i32
      %dma_start3A_36 = tpu.memref_slice %arg2[%select_n3A, %sub3A_19, %dma_start3A, %dma_start3A_35] : memref<32x3x384x192xf32, #tpu.memory_space<hbm>> -> memref<1x1x384x192xf32, #tpu.memory_space<hbm>>
      %dma_start3A_37 = tpu.memref_squeeze %dma_start3A_36 : memref<1x1x384x192xf32, #tpu.memory_space<hbm>> -> memref<384x192xf32, #tpu.memory_space<hbm>>
      %dma_start3A_38 = arith.constant 0 : i32
      %dma_start3A_39 = arith.constant 0 : i32
      %dma_start3A_40 = tpu.memref_slice %arg2[%select_n3A, %sub3A_19, %dma_start3A_38, %dma_start3A_39] : memref<32x3x384x192xf32, #tpu.memory_space<hbm>> -> memref<1x1x384x192xf32, #tpu.memory_space<hbm>>
      %dma_start3A_41 = tpu.memref_squeeze %dma_start3A_40 : memref<1x1x384x192xf32, #tpu.memory_space<hbm>> -> memref<384x192xf32, #tpu.memory_space<hbm>>
      tpu.enqueue_dma source(%dma_start3A_41 : memref<384x192xf32, #tpu.memory_space<hbm>>) target(%arg5 : memref<384x192xf32, #tpu.memory_space<vmem>>) target_semaphore(%run_scoped3A : memref<!tpu.dma_semaphore, #tpu.memory_space<semaphore_mem>>)
      %dma_wait3A = arith.constant 0 : i32
      %dma_wait3A_42 = arith.constant 0 : i32
      %dma_wait3A_43 = tpu.memref_slice %arg2[%select_n3A, %sub3A_19, %dma_wait3A, %dma_wait3A_42] : memref<32x3x384x192xf32, #tpu.memory_space<hbm>> -> memref<1x1x384x192xf32, #tpu.memory_space<hbm>>
      %dma_wait3A_44 = tpu.memref_squeeze %dma_wait3A_43 : memref<1x1x384x192xf32, #tpu.memory_space<hbm>> -> memref<384x192xf32, #tpu.memory_space<hbm>>
      %dma_wait3A_45 = arith.constant 0 : i32
      %dma_wait3A_46 = arith.constant 0 : i32
      %dma_wait3A_47 = tpu.memref_slice %arg2[%select_n3A, %sub3A_19, %dma_wait3A_45, %dma_wait3A_46] : memref<32x3x384x192xf32, #tpu.memory_space<hbm>> -> memref<1x1x384x192xf32, #tpu.memory_space<hbm>>
      %dma_wait3A_48 = tpu.memref_squeeze %dma_wait3A_47 : memref<1x1x384x192xf32, #tpu.memory_space<hbm>> -> memref<384x192xf32, #tpu.memory_space<hbm>>
      tpu.wait_dma2 semaphore(%run_scoped3A : memref<!tpu.dma_semaphore, #tpu.memory_space<semaphore_mem>>) src(%dma_wait3A_48 : memref<384x192xf32, #tpu.memory_space<hbm>>) dst(%arg5 : memref<384x192xf32, #tpu.memory_space<vmem>>)
      tpu.yield
    }) : () -> ()
    %mul3A_25 = arith.constant 192 : i32
    %mul3A_26 = arith.muli %sub3A_19, %mul3A_25 : i32
    %scan3A = arith.constant 0 : i32
    %scan3A_27 = arith.constant 5.000000e-01 : f32
    %scan3A_28 = arith.constant 1.920000e+02 : f32
    %scan3A_29 = arith.constant 0.00520833349 : f32
    %scan3A_30 = arith.constant 0 : i32
    %scan3A_31 = arith.constant 12 : i32
    %scan3A_32 = arith.addi %scan3A_30, %scan3A_31 : i32
    %scan3A_33 = arith.constant 1 : i32
    scf.for %scan3A_35 = %scan3A_30 to %scan3A_32 step %scan3A_33  : i32 {
      %mul3A_36 = arith.constant 16 : i32
      %mul3A_37 = arith.muli %scan3A_35, %mul3A_36 : i32
      %mul3A_38 = arith.constant 16 : i32
      %mul3A_39 = arith.muli %scan3A_35, %mul3A_38 : i32
      %add3A_40 = arith.addi %mul3A_26, %mul3A_39 : i32
      %get3A = arith.constant 0 : i32
      %get3A_41 = arith.index_cast %get3A : i32 to index
      %get3A_42 = arith.index_cast %add3A_40 : i32 to index
      %get3A_43 = tpu.vector_load %arg6[%get3A_41, %get3A_42] {strides = array<i32>} : memref<2x576xf32, #tpu.memory_space<vmem>>, vector<1x16xf32>,
      %get3A_44 = vector.shape_cast %get3A_43 : vector<1x16xf32> to vector<16xf32>
      %get3A_45 = arith.constant 1 : i32
      %get3A_46 = arith.index_cast %get3A_45 : i32 to index
      %get3A_47 = arith.index_cast %add3A_40 : i32 to index
      %get3A_48 = tpu.vector_load %arg6[%get3A_46, %get3A_47] {strides = array<i32>} : memref<2x576xf32, #tpu.memory_space<vmem>>, vector<1x16xf32>,
      %get3A_49 = vector.shape_cast %get3A_48 : vector<1x16xf32> to vector<16xf32>
      %scan3A_50 = arith.constant 0 : i32
      %scan3A_51 = arith.constant 6 : i32
      %scan3A_52 = arith.addi %scan3A_50, %scan3A_51 : i32
      %scan3A_53 = arith.constant 1 : i32
      %scan3A_54:2 = scf.for %scan3A_73 = %scan3A_50 to %scan3A_52 step %scan3A_53 iter_args(%scan3A_74 = %get3A_44, %scan3A_75 = %get3A_49) -> (vector<16xf32>, vector<16xf32>)  : i32 {
        %add3A_76 = arith.addf %scan3A_74, %scan3A_75 : vector<16xf32>
        %mul3A_77 = vector.broadcast %scan3A_27 : f32 to vector<16xf32>
        %mul3A_78 = arith.mulf %add3A_76, %mul3A_77 : vector<16xf32>
        %scan3A_79 = arith.constant 0 : i32
        %scan3A_80 = arith.constant 48 : i32
        %scan3A_81 = arith.addi %scan3A_79, %scan3A_80 : i32
        %scan3A_82 = arith.constant 1 : i32
        %scan3A_83:4 = scf.for %scan3A_91 = %scan3A_79 to %scan3A_81 step %scan3A_82 iter_args(%scan3A_92 = %broadcast_in_dim3A_22, %scan3A_93 = %broadcast_in_dim3A_22, %scan3A_94 = %broadcast_in_dim3A_22, %scan3A_95 = %broadcast_in_dim3A_22) -> (vector<16xf32>, vector<16xf32>, vector<16xf32>, vector<16xf32>)  : i32 {
          %mul3A_96 = arith.constant 8 : i32
          %mul3A_97 = arith.muli %scan3A_91, %mul3A_96 : i32
          %add3A_98 = arith.constant 0 : i32
          %add3A_99 = arith.addi %mul3A_97, %add3A_98 : i32
          %get3A_100 = arith.index_cast %add3A_99 : i32 to index
          %get3A_101 = arith.index_cast %mul3A_37 : i32 to index
          %get3A_102 = tpu.vector_load %arg5[%get3A_100, %get3A_101] {strides = array<i32>} : memref<384x192xf32, #tpu.memory_space<vmem>>, vector<1x16xf32>,
          %get3A_103 = vector.shape_cast %get3A_102 : vector<1x16xf32> to vector<16xf32>
          %add3A_104 = arith.constant 0 : i32
          %add3A_105 = arith.addi %mul3A_97, %add3A_104 : i32
          %add3A_106 = arith.constant 1 : i32
          %add3A_107 = arith.addi %add3A_105, %add3A_106 : i32
          %get3A_108 = arith.index_cast %add3A_107 : i32 to index
          %get3A_109 = arith.index_cast %mul3A_37 : i32 to index
          %get3A_110 = tpu.vector_load %arg5[%get3A_108, %get3A_109] {strides = array<i32>} : memref<384x192xf32, #tpu.memory_space<vmem>>, vector<1x16xf32>,
          %get3A_111 = vector.shape_cast %get3A_110 : vector<1x16xf32> to vector<16xf32>
          %add3A_112 = arith.constant 0 : i32
          %add3A_113 = arith.addi %mul3A_97, %add3A_112 : i32
          %add3A_114 = arith.constant 2 : i32
          %add3A_115 = arith.addi %add3A_113, %add3A_114 : i32
          %get3A_116 = arith.index_cast %add3A_115 : i32 to index
          %get3A_117 = arith.index_cast %mul3A_37 : i32 to index
          %get3A_118 = tpu.vector_load %arg5[%get3A_116, %get3A_117] {strides = array<i32>} : memref<384x192xf32, #tpu.memory_space<vmem>>, vector<1x16xf32>,
          %get3A_119 = vector.shape_cast %get3A_118 : vector<1x16xf32> to vector<16xf32>
          %add3A_120 = arith.constant 0 : i32
          %add3A_121 = arith.addi %mul3A_97, %add3A_120 : i32
          %add3A_122 = arith.constant 3 : i32
          %add3A_123 = arith.addi %add3A_121, %add3A_122 : i32
          %get3A_124 = arith.index_cast %add3A_123 : i32 to index
          %get3A_125 = arith.index_cast %mul3A_37 : i32 to index
          %get3A_126 = tpu.vector_load %arg5[%get3A_124, %get3A_125] {strides = array<i32>} : memref<384x192xf32, #tpu.memory_space<vmem>>, vector<1x16xf32>,
          %get3A_127 = vector.shape_cast %get3A_126 : vector<1x16xf32> to vector<16xf32>
          %ge3A_128 = arith.cmpf oge, %get3A_103, %mul3A_78 : vector<16xf32>
          %add3A_129 = arith.addf %scan3A_92, %broadcast_in_dim3A_20 : vector<16xf32>
          %select_n3A_130 = arith.select %ge3A_128, %add3A_129, %scan3A_92 : vector<16xi1>, vector<16xf32>
          %ge3A_131 = arith.cmpf oge, %get3A_111, %mul3A_78 : vector<16xf32>
          %add3A_132 = arith.addf %scan3A_93, %broadcast_in_dim3A_20 : vector<16xf32>
          %select_n3A_133 = arith.select %ge3A_131, %add3A_132, %scan3A_93 : vector<16xi1>, vector<16xf32>
          %ge3A_134 = arith.cmpf oge, %get3A_119, %mul3A_78 : vector<16xf32>
          %add3A_135 = arith.addf %scan3A_94, %broadcast_in_dim3A_20 : vector<16xf32>
          %select_n3A_136 = arith.select %ge3A_134, %add3A_135, %scan3A_94 : vector<16xi1>, vector<16xf32>
          %ge3A_137 = arith.cmpf oge, %get3A_127, %mul3A_78 : vector<16xf32>
          %add3A_138 = arith.addf %scan3A_95, %broadcast_in_dim3A_20 : vector<16xf32>
          %select_n3A_139 = arith.select %ge3A_137, %add3A_138, %scan3A_95 : vector<16xi1>, vector<16xf32>
          %add3A_140 = arith.constant 4 : i32
          %add3A_141 = arith.addi %mul3A_97, %add3A_140 : i32
          %get3A_142 = arith.index_cast %add3A_141 : i32 to index
          %get3A_143 = arith.index_cast %mul3A_37 : i32 to index
          %get3A_144 = tpu.vector_load %arg5[%get3A_142, %get3A_143] {strides = array<i32>} : memref<384x192xf32, #tpu.memory_space<vmem>>, vector<1x16xf32>,
          %get3A_145 = vector.shape_cast %get3A_144 : vector<1x16xf32> to vector<16xf32>
          %add3A_146 = arith.constant 4 : i32
          %add3A_147 = arith.addi %mul3A_97, %add3A_146 : i32
          %add3A_148 = arith.constant 1 : i32
          %add3A_149 = arith.addi %add3A_147, %add3A_148 : i32
          %get3A_150 = arith.index_cast %add3A_149 : i32 to index
          %get3A_151 = arith.index_cast %mul3A_37 : i32 to index
          %get3A_152 = tpu.vector_load %arg5[%get3A_150, %get3A_151] {strides = array<i32>} : memref<384x192xf32, #tpu.memory_space<vmem>>, vector<1x16xf32>,
          %get3A_153 = vector.shape_cast %get3A_152 : vector<1x16xf32> to vector<16xf32>
          %add3A_154 = arith.constant 4 : i32
          %add3A_155 = arith.addi %mul3A_97, %add3A_154 : i32
          %add3A_156 = arith.constant 2 : i32
          %add3A_157 = arith.addi %add3A_155, %add3A_156 : i32
          %get3A_158 = arith.index_cast %add3A_157 : i32 to index
          %get3A_159 = arith.index_cast %mul3A_37 : i32 to index
          %get3A_160 = tpu.vector_load %arg5[%get3A_158, %get3A_159] {strides = array<i32>} : memref<384x192xf32, #tpu.memory_space<vmem>>, vector<1x16xf32>,
          %get3A_161 = vector.shape_cast %get3A_160 : vector<1x16xf32> to vector<16xf32>
          %add3A_162 = arith.constant 4 : i32
          %add3A_163 = arith.addi %mul3A_97, %add3A_162 : i32
          %add3A_164 = arith.constant 3 : i32
          %add3A_165 = arith.addi %add3A_163, %add3A_164 : i32
          %get3A_166 = arith.index_cast %add3A_165 : i32 to index
          %get3A_167 = arith.index_cast %mul3A_37 : i32 to index
          %get3A_168 = tpu.vector_load %arg5[%get3A_166, %get3A_167] {strides = array<i32>} : memref<384x192xf32, #tpu.memory_space<vmem>>, vector<1x16xf32>,
          %get3A_169 = vector.shape_cast %get3A_168 : vector<1x16xf32> to vector<16xf32>
          %ge3A_170 = arith.cmpf oge, %get3A_145, %mul3A_78 : vector<16xf32>
          %add3A_171 = arith.addf %select_n3A_130, %broadcast_in_dim3A_20 : vector<16xf32>
          %select_n3A_172 = arith.select %ge3A_170, %add3A_171, %select_n3A_130 : vector<16xi1>, vector<16xf32>
          %ge3A_173 = arith.cmpf oge, %get3A_153, %mul3A_78 : vector<16xf32>
          %add3A_174 = arith.addf %select_n3A_133, %broadcast_in_dim3A_20 : vector<16xf32>
          %select_n3A_175 = arith.select %ge3A_173, %add3A_174, %select_n3A_133 : vector<16xi1>, vector<16xf32>
          %ge3A_176 = arith.cmpf oge, %get3A_161, %mul3A_78 : vector<16xf32>
          %add3A_177 = arith.addf %select_n3A_136, %broadcast_in_dim3A_20 : vector<16xf32>
          %select_n3A_178 = arith.select %ge3A_176, %add3A_177, %select_n3A_136 : vector<16xi1>, vector<16xf32>
          %ge3A_179 = arith.cmpf oge, %get3A_169, %mul3A_78 : vector<16xf32>
          %add3A_180 = arith.addf %select_n3A_139, %broadcast_in_dim3A_20 : vector<16xf32>
          %select_n3A_181 = arith.select %ge3A_179, %add3A_180, %select_n3A_139 : vector<16xi1>, vector<16xf32>
          scf.yield %select_n3A_172, %select_n3A_175, %select_n3A_178, %select_n3A_181 : vector<16xf32>, vector<16xf32>, vector<16xf32>, vector<16xf32>
        }
        %scan3A_84 = arith.constant 48 : i32
        %add3A_85 = arith.addf %scan3A_83#0, %scan3A_83#1 : vector<16xf32>
        %add3A_86 = arith.addf %scan3A_83#2, %scan3A_83#3 : vector<16xf32>
        %add3A_87 = arith.addf %add3A_85, %add3A_86 : vector<16xf32>
        %ge3A = vector.broadcast %scan3A_28 : f32 to vector<16xf32>
        %ge3A_88 = arith.cmpf oge, %add3A_87, %ge3A : vector<16xf32>
        %select_n3A_89 = arith.select %ge3A_88, %mul3A_78, %scan3A_74 : vector<16xi1>, vector<16xf32>
        %select_n3A_90 = arith.select %ge3A_88, %scan3A_75, %mul3A_78 : vector<16xi1>, vector<16xf32>
        scf.yield %select_n3A_89, %select_n3A_90 : vector<16xf32>, vector<16xf32>
      }
      %scan3A_55 = arith.constant 6 : i32
      %scan3A_56 = arith.constant 0 : i32
      %scan3A_57 = arith.constant 96 : i32
      %scan3A_58 = arith.addi %scan3A_56, %scan3A_57 : i32
      %scan3A_59 = arith.constant 1 : i32
      %scan3A_60:4 = scf.for %scan3A_73 = %scan3A_56 to %scan3A_58 step %scan3A_59 iter_args(%scan3A_74 = %broadcast_in_dim3A_24, %scan3A_75 = %broadcast_in_dim3A_24, %scan3A_76 = %broadcast_in_dim3A_24, %scan3A_77 = %broadcast_in_dim3A_24) -> (vector<16xf32>, vector<16xf32>, vector<16xf32>, vector<16xf32>)  : i32 {
        %mul3A_78 = arith.constant 4 : i32
        %mul3A_79 = arith.muli %scan3A_73, %mul3A_78 : i32
        %get3A_80 = arith.index_cast %mul3A_79 : i32 to index
        %get3A_81 = arith.index_cast %mul3A_37 : i32 to index
        %get3A_82 = tpu.vector_load %arg5[%get3A_80, %get3A_81] {strides = array<i32>} : memref<384x192xf32, #tpu.memory_space<vmem>>, vector<1x16xf32>,
        %get3A_83 = vector.shape_cast %get3A_82 : vector<1x16xf32> to vector<16xf32>
        %sub3A_84 = arith.subf %get3A_83, %scan3A_54#0 : vector<16xf32>
        %max3A = arith.constant 0.000000e+00 : f32
        %max3A_85 = vector.broadcast %max3A : f32 to vector<16xf32>
        %max3A_86 = arith.maximumf %sub3A_84, %max3A_85 : vector<16xf32>
        %add3A_87 = arith.addf %scan3A_74, %max3A_86 : vector<16xf32>
        %add3A_88 = arith.constant 1 : i32
        %add3A_89 = arith.addi %mul3A_79, %add3A_88 : i32
        %get3A_90 = arith.index_cast %add3A_89 : i32 to index
        %get3A_91 = arith.index_cast %mul3A_37 : i32 to index
        %get3A_92 = tpu.vector_load %arg5[%get3A_90, %get3A_91] {strides = array<i32>} : memref<384x192xf32, #tpu.memory_space<vmem>>, vector<1x16xf32>,
        %get3A_93 = vector.shape_cast %get3A_92 : vector<1x16xf32> to vector<16xf32>
        %sub3A_94 = arith.subf %get3A_93, %scan3A_54#0 : vector<16xf32>
        %max3A_95 = arith.constant 0.000000e+00 : f32
        %max3A_96 = vector.broadcast %max3A_95 : f32 to vector<16xf32>
        %max3A_97 = arith.maximumf %sub3A_94, %max3A_96 : vector<16xf32>
        %add3A_98 = arith.addf %scan3A_75, %max3A_97 : vector<16xf32>
        %add3A_99 = arith.constant 2 : i32
        %add3A_100 = arith.addi %mul3A_79, %add3A_99 : i32
        %get3A_101 = arith.index_cast %add3A_100 : i32 to index
        %get3A_102 = arith.index_cast %mul3A_37 : i32 to index
        %get3A_103 = tpu.vector_load %arg5[%get3A_101, %get3A_102] {strides = array<i32>} : memref<384x192xf32, #tpu.memory_space<vmem>>, vector<1x16xf32>,
        %get3A_104 = vector.shape_cast %get3A_103 : vector<1x16xf32> to vector<16xf32>
        %sub3A_105 = arith.subf %get3A_104, %scan3A_54#0 : vector<16xf32>
        %max3A_106 = arith.constant 0.000000e+00 : f32
        %max3A_107 = vector.broadcast %max3A_106 : f32 to vector<16xf32>
        %max3A_108 = arith.maximumf %sub3A_105, %max3A_107 : vector<16xf32>
        %add3A_109 = arith.addf %scan3A_76, %max3A_108 : vector<16xf32>
        %add3A_110 = arith.constant 3 : i32
        %add3A_111 = arith.addi %mul3A_79, %add3A_110 : i32
        %get3A_112 = arith.index_cast %add3A_111 : i32 to index
        %get3A_113 = arith.index_cast %mul3A_37 : i32 to index
        %get3A_114 = tpu.vector_load %arg5[%get3A_112, %get3A_113] {strides = array<i32>} : memref<384x192xf32, #tpu.memory_space<vmem>>, vector<1x16xf32>,
        %get3A_115 = vector.shape_cast %get3A_114 : vector<1x16xf32> to vector<16xf32>
        %sub3A_116 = arith.subf %get3A_115, %scan3A_54#0 : vector<16xf32>
        %max3A_117 = arith.constant 0.000000e+00 : f32
        %max3A_118 = vector.broadcast %max3A_117 : f32 to vector<16xf32>
        %max3A_119 = arith.maximumf %sub3A_116, %max3A_118 : vector<16xf32>
        %add3A_120 = arith.addf %scan3A_77, %max3A_119 : vector<16xf32>
        scf.yield %add3A_87, %add3A_98, %add3A_109, %add3A_120 : vector<16xf32>, vector<16xf32>, vector<16xf32>, vector<16xf32>
      }
      %scan3A_61 = arith.constant 96 : i32
      %add3A_62 = arith.addf %scan3A_60#0, %scan3A_60#1 : vector<16xf32>
      %add3A_63 = arith.addf %scan3A_60#2, %scan3A_60#3 : vector<16xf32>
      %add3A_64 = arith.addf %add3A_62, %add3A_63 : vector<16xf32>
      %mul3A_65 = vector.broadcast %scan3A_28 : f32 to vector<16xf32>
      %mul3A_66 = arith.mulf %mul3A_65, %scan3A_54#0 : vector<16xf32>
      %add3A_67 = arith.addf %add3A_64, %mul3A_66 : vector<16xf32>
      %mul3A_68 = vector.broadcast %scan3A_29 : f32 to vector<16xf32>
      %mul3A_69 = arith.mulf %add3A_67, %mul3A_68 : vector<16xf32>
      %swap3A = arith.index_cast %mul3A_37 : i32 to index
      %swap3A_70 = tpu.vector_load %arg7[%swap3A] {strides = array<i32>} : memref<192xf32, #tpu.memory_space<vmem>>, vector<16xf32>,
      %swap3A_71 = vector.shape_cast %swap3A_70 : vector<16xf32> to vector<16xf32>
      %swap3A_72 = vector.shape_cast %mul3A_69 : vector<16xf32> to vector<16xf32>
      tpu.vector_store %arg7[%swap3A], %swap3A_72 {strides = array<i32>} : memref<192xf32, #tpu.memory_space<vmem>>, vector<16xf32>,
    }
    %scan3A_34 = arith.constant 12 : i32
    "tpu.region"() ({
      %run_scoped3A = tpu.sem_alloc : memref<!tpu.dma_semaphore, #tpu.memory_space<semaphore_mem>>
      %dma_start3A = arith.constant 0 : i32
      %dma_start3A_35 = tpu.memref_slice %arg4[%select_n3A, %sub3A_19, %dma_start3A] : memref<11x3x192xf32, #tpu.memory_space<hbm>> -> memref<1x1x192xf32, #tpu.memory_space<hbm>>
      %dma_start3A_36 = tpu.memref_squeeze %dma_start3A_35 : memref<1x1x192xf32, #tpu.memory_space<hbm>> -> memref<192xf32, #tpu.memory_space<hbm>>
      %dma_start3A_37 = arith.constant 0 : i32
      %dma_start3A_38 = tpu.memref_slice %arg4[%select_n3A, %sub3A_19, %dma_start3A_37] : memref<11x3x192xf32, #tpu.memory_space<hbm>> -> memref<1x1x192xf32, #tpu.memory_space<hbm>>
      %dma_start3A_39 = tpu.memref_squeeze %dma_start3A_38 : memref<1x1x192xf32, #tpu.memory_space<hbm>> -> memref<192xf32, #tpu.memory_space<hbm>>
      tpu.enqueue_dma source(%arg7 : memref<192xf32, #tpu.memory_space<vmem>>) target(%dma_start3A_39 : memref<192xf32, #tpu.memory_space<hbm>>) target_semaphore(%run_scoped3A : memref<!tpu.dma_semaphore, #tpu.memory_space<semaphore_mem>>)
      %dma_wait3A = arith.constant 0 : i32
      %dma_wait3A_40 = tpu.memref_slice %arg4[%select_n3A, %sub3A_19, %dma_wait3A] : memref<11x3x192xf32, #tpu.memory_space<hbm>> -> memref<1x1x192xf32, #tpu.memory_space<hbm>>
      %dma_wait3A_41 = tpu.memref_squeeze %dma_wait3A_40 : memref<1x1x192xf32, #tpu.memory_space<hbm>> -> memref<192xf32, #tpu.memory_space<hbm>>
      %dma_wait3A_42 = arith.constant 0 : i32
      %dma_wait3A_43 = tpu.memref_slice %arg4[%select_n3A, %sub3A_19, %dma_wait3A_42] : memref<11x3x192xf32, #tpu.memory_space<hbm>> -> memref<1x1x192xf32, #tpu.memory_space<hbm>>
      %dma_wait3A_44 = tpu.memref_squeeze %dma_wait3A_43 : memref<1x1x192xf32, #tpu.memory_space<hbm>> -> memref<192xf32, #tpu.memory_space<hbm>>
      tpu.wait_dma2 semaphore(%run_scoped3A : memref<!tpu.dma_semaphore, #tpu.memory_space<semaphore_mem>>) src(%arg7 : memref<192xf32, #tpu.memory_space<vmem>>) dst(%dma_wait3A_44 : memref<192xf32, #tpu.memory_space<hbm>>)
      tpu.yield
    }) : () -> ()
    return
  }
}

module attributes {stable_mosaic.version = 14 : i64} {
  func.func @_gate_body(%arg0: i32, %arg1: memref<3xf32, #tpu.memory_space<smem>>, %arg2: memref<4x384x576xf32, #tpu.memory_space<vmem>>, %arg3: memref<4x3x384x192xf32, #tpu.memory_space<vmem>>, %arg4: memref<4x2x576xf32, #tpu.memory_space<vmem>>) attributes {dimension_semantics = [#tpu.dimension_semantics<arbitrary>], iteration_bounds = array<i64: 8>, scalar_prefetch = 0 : i64, scratch_operands = 0 : i64, tpu.core_type = #tpu.core_type<tc>, window_params = [{transform_indices = @transform_0, window_bounds = array<i64: 3>}, {transform_indices = @transform_1, window_bounds = array<i64: 4, 384, 576>}, {transform_indices = @transform_2, window_bounds = array<i64: 4, 3, 384, 192>}, {transform_indices = @transform_3, window_bounds = array<i64: 4, 2, 576>}]} {
    %get3A = arith.constant 0 : index
    %get3A_0 = arith.constant 0 : index
    %get3A_1 = arith.constant 0 : index
    %get3A_2 = vector.load %arg2[%get3A, %get3A_0, %get3A_1] : memref<4x384x576xf32, #tpu.memory_space<vmem>>, vector<1x384x576xf32>
    %get3A_3 = vector.shape_cast %get3A_2 : vector<1x384x576xf32> to vector<384x576xf32>
    %reduce_sum3A = arith.constant dense<0.000000e+00> : vector<384xf32>
    %reduce_sum3A_4 = vector.multi_reduction <add>, %get3A_3, %reduce_sum3A [1] : vector<384x576xf32> to vector<384xf32>
    %broadcast_in_dim3A = vector.shape_cast %reduce_sum3A_4 : vector<384xf32> to vector<384x1xf32>
    %div3A = arith.constant 5.760000e+02 : f32
    %div3A_5 = vector.broadcast %div3A : f32 to vector<384x1xf32>
    %div3A_6 = arith.divf %broadcast_in_dim3A, %div3A_5 : vector<384x1xf32>
    %broadcast_in_dim3A_7 = arith.constant 0.000000e+00 : f32
    %broadcast_in_dim3A_8 = vector.broadcast %broadcast_in_dim3A_7 : f32 to vector<1x1xf32>
    %slice3A = vector.extract_strided_slice %div3A_6 {offsets = [0, 0], sizes = [383, 1], strides = [1, 1]} : vector<384x1xf32> to vector<383x1xf32>
    %concatenate3A = tpu.concatenate %broadcast_in_dim3A_8, %slice3A in 0 : vector<1x1xf32>, vector<383x1xf32> -> vector<384x1xf32>
    %slice3A_9 = vector.extract_strided_slice %div3A_6 {offsets = [1, 0], sizes = [383, 1], strides = [1, 1]} : vector<384x1xf32> to vector<383x1xf32>
    %concatenate3A_10 = tpu.concatenate %slice3A_9, %broadcast_in_dim3A_8 in 0 : vector<383x1xf32>, vector<1x1xf32> -> vector<384x1xf32>
    %get3A_11 = arith.constant 0 : index
    %get3A_12 = memref.load %arg1[%get3A_11] : memref<3xf32, #tpu.memory_space<smem>>
    %mul3A = vector.broadcast %get3A_12 : f32 to vector<384x1xf32>
    %mul3A_13 = arith.mulf %concatenate3A, %mul3A : vector<384x1xf32>
    %get3A_14 = arith.constant 1 : index
    %get3A_15 = memref.load %arg1[%get3A_14] : memref<3xf32, #tpu.memory_space<smem>>
    %mul3A_16 = vector.broadcast %get3A_15 : f32 to vector<384x1xf32>
    %mul3A_17 = arith.mulf %div3A_6, %mul3A_16 : vector<384x1xf32>
    %add3A = arith.addf %mul3A_13, %mul3A_17 : vector<384x1xf32>
    %get3A_18 = arith.constant 2 : index
    %get3A_19 = memref.load %arg1[%get3A_18] : memref<3xf32, #tpu.memory_space<smem>>
    %mul3A_20 = vector.broadcast %get3A_19 : f32 to vector<384x1xf32>
    %mul3A_21 = arith.mulf %concatenate3A_10, %mul3A_20 : vector<384x1xf32>
    %add3A_22 = arith.addf %add3A, %mul3A_21 : vector<384x1xf32>
    %logistic3A = arith.negf %add3A_22 : vector<384x1xf32>
    %logistic3A_23 = math.exp %logistic3A : vector<384x1xf32>
    %logistic3A_24 = arith.constant 1.000000e+00 : f32
    %logistic3A_25 = vector.broadcast %logistic3A_24 : f32 to vector<384x1xf32>
    %logistic3A_26 = arith.addf %logistic3A_25, %logistic3A_23 : vector<384x1xf32>
    %logistic3A_27 = arith.divf %logistic3A_25, %logistic3A_26 : vector<384x1xf32>
    %mul3A_28 = vector.broadcast %logistic3A_27 : vector<384x1xf32> to vector<384x576xf32>
    %mul3A_29 = arith.mulf %get3A_3, %mul3A_28 : vector<384x576xf32>
    %slice3A_30 = vector.extract_strided_slice %mul3A_29 {offsets = [0, 0], sizes = [384, 192], strides = [1, 1]} : vector<384x576xf32> to vector<384x192xf32>
    %swap3A = arith.constant 0 : index
    %swap3A_31 = arith.constant 0 : index
    %swap3A_32 = arith.constant 0 : index
    %swap3A_33 = arith.constant 0 : index
    %swap3A_34 = vector.load %arg3[%swap3A, %swap3A_31, %swap3A_32, %swap3A_33] : memref<4x3x384x192xf32, #tpu.memory_space<vmem>>, vector<1x1x384x192xf32>
    %swap3A_35 = vector.shape_cast %swap3A_34 : vector<1x1x384x192xf32> to vector<384x192xf32>
    %swap3A_36 = vector.shape_cast %slice3A_30 : vector<384x192xf32> to vector<1x1x384x192xf32>
    tpu.vector_store %arg3[%swap3A, %swap3A_31, %swap3A_32, %swap3A_33], %swap3A_36 {strides = array<i32>} : memref<4x3x384x192xf32, #tpu.memory_space<vmem>>, vector<1x1x384x192xf32>,
    %slice3A_37 = vector.extract_strided_slice %mul3A_29 {offsets = [0, 192], sizes = [384, 192], strides = [1, 1]} : vector<384x576xf32> to vector<384x192xf32>
    %swap3A_38 = arith.constant 0 : index
    %swap3A_39 = arith.constant 1 : index
    %swap3A_40 = arith.constant 0 : index
    %swap3A_41 = arith.constant 0 : index
    %swap3A_42 = vector.load %arg3[%swap3A_38, %swap3A_39, %swap3A_40, %swap3A_41] : memref<4x3x384x192xf32, #tpu.memory_space<vmem>>, vector<1x1x384x192xf32>
    %swap3A_43 = vector.shape_cast %swap3A_42 : vector<1x1x384x192xf32> to vector<384x192xf32>
    %swap3A_44 = vector.shape_cast %slice3A_37 : vector<384x192xf32> to vector<1x1x384x192xf32>
    tpu.vector_store %arg3[%swap3A_38, %swap3A_39, %swap3A_40, %swap3A_41], %swap3A_44 {strides = array<i32>} : memref<4x3x384x192xf32, #tpu.memory_space<vmem>>, vector<1x1x384x192xf32>,
    %slice3A_45 = vector.extract_strided_slice %mul3A_29 {offsets = [0, 384], sizes = [384, 192], strides = [1, 1]} : vector<384x576xf32> to vector<384x192xf32>
    %swap3A_46 = arith.constant 0 : index
    %swap3A_47 = arith.constant 2 : index
    %swap3A_48 = arith.constant 0 : index
    %swap3A_49 = arith.constant 0 : index
    %swap3A_50 = vector.load %arg3[%swap3A_46, %swap3A_47, %swap3A_48, %swap3A_49] : memref<4x3x384x192xf32, #tpu.memory_space<vmem>>, vector<1x1x384x192xf32>
    %swap3A_51 = vector.shape_cast %swap3A_50 : vector<1x1x384x192xf32> to vector<384x192xf32>
    %swap3A_52 = vector.shape_cast %slice3A_45 : vector<384x192xf32> to vector<1x1x384x192xf32>
    tpu.vector_store %arg3[%swap3A_46, %swap3A_47, %swap3A_48, %swap3A_49], %swap3A_52 {strides = array<i32>} : memref<4x3x384x192xf32, #tpu.memory_space<vmem>>, vector<1x1x384x192xf32>,
    %reduce_min3A = arith.constant dense<0x7F800000> : vector<576xf32>
    %reduce_min3A_53 = vector.multi_reduction <minimumf>, %mul3A_29, %reduce_min3A [0] : vector<384x576xf32> to vector<576xf32>
    %broadcast_in_dim3A_54 = vector.shape_cast %reduce_min3A_53 : vector<576xf32> to vector<1x576xf32>
    %reduce_max3A = arith.constant dense<0xFF800000> : vector<576xf32>
    %reduce_max3A_55 = vector.multi_reduction <maximumf>, %mul3A_29, %reduce_max3A [0] : vector<384x576xf32> to vector<576xf32>
    %broadcast_in_dim3A_56 = vector.shape_cast %reduce_max3A_55 : vector<576xf32> to vector<1x576xf32>
    %abs3A = math.absf %broadcast_in_dim3A_54 : vector<1x576xf32>
    %mul3A_57 = arith.constant 0.00999999977 : f32
    %mul3A_58 = vector.broadcast %mul3A_57 : f32 to vector<1x576xf32>
    %mul3A_59 = arith.mulf %abs3A, %mul3A_58 : vector<1x576xf32>
    %add3A_60 = arith.constant 1.000000e-30 : f32
    %add3A_61 = vector.broadcast %add3A_60 : f32 to vector<1x576xf32>
    %add3A_62 = arith.addf %mul3A_59, %add3A_61 : vector<1x576xf32>
    %sub3A = arith.subf %broadcast_in_dim3A_54, %add3A_62 : vector<1x576xf32>
    %swap3A_63 = arith.constant 0 : index
    %swap3A_64 = arith.constant 0 : index
    %swap3A_65 = arith.constant 0 : index
    %swap3A_66 = vector.load %arg4[%swap3A_63, %swap3A_64, %swap3A_65] : memref<4x2x576xf32, #tpu.memory_space<vmem>>, vector<1x1x576xf32>
    %swap3A_67 = vector.shape_cast %swap3A_66 : vector<1x1x576xf32> to vector<1x576xf32>
    %swap3A_68 = vector.shape_cast %sub3A : vector<1x576xf32> to vector<1x1x576xf32>
    tpu.vector_store %arg4[%swap3A_63, %swap3A_64, %swap3A_65], %swap3A_68 {strides = array<i32>} : memref<4x2x576xf32, #tpu.memory_space<vmem>>, vector<1x1x576xf32>,
    %abs3A_69 = math.absf %broadcast_in_dim3A_56 : vector<1x576xf32>
    %mul3A_70 = arith.constant 0.00999999977 : f32
    %mul3A_71 = vector.broadcast %mul3A_70 : f32 to vector<1x576xf32>
    %mul3A_72 = arith.mulf %abs3A_69, %mul3A_71 : vector<1x576xf32>
    %add3A_73 = arith.constant 1.000000e-30 : f32
    %add3A_74 = vector.broadcast %add3A_73 : f32 to vector<1x576xf32>
    %add3A_75 = arith.addf %mul3A_72, %add3A_74 : vector<1x576xf32>
    %add3A_76 = arith.addf %broadcast_in_dim3A_56, %add3A_75 : vector<1x576xf32>
    %swap3A_77 = arith.constant 0 : index
    %swap3A_78 = arith.constant 1 : index
    %swap3A_79 = arith.constant 0 : index
    %swap3A_80 = vector.load %arg4[%swap3A_77, %swap3A_78, %swap3A_79] : memref<4x2x576xf32, #tpu.memory_space<vmem>>, vector<1x1x576xf32>
    %swap3A_81 = vector.shape_cast %swap3A_80 : vector<1x1x576xf32> to vector<1x576xf32>
    %swap3A_82 = vector.shape_cast %add3A_76 : vector<1x576xf32> to vector<1x1x576xf32>
    tpu.vector_store %arg4[%swap3A_77, %swap3A_78, %swap3A_79], %swap3A_82 {strides = array<i32>} : memref<4x2x576xf32, #tpu.memory_space<vmem>>, vector<1x1x576xf32>,
    %get3A_83 = arith.constant 1 : index
    %get3A_84 = arith.constant 0 : index
    %get3A_85 = arith.constant 0 : index
    %get3A_86 = vector.load %arg2[%get3A_83, %get3A_84, %get3A_85] : memref<4x384x576xf32, #tpu.memory_space<vmem>>, vector<1x384x576xf32>
    %get3A_87 = vector.shape_cast %get3A_86 : vector<1x384x576xf32> to vector<384x576xf32>
    %reduce_sum3A_88 = arith.constant dense<0.000000e+00> : vector<384xf32>
    %reduce_sum3A_89 = vector.multi_reduction <add>, %get3A_87, %reduce_sum3A_88 [1] : vector<384x576xf32> to vector<384xf32>
    %broadcast_in_dim3A_90 = vector.shape_cast %reduce_sum3A_89 : vector<384xf32> to vector<384x1xf32>
    %div3A_91 = arith.constant 5.760000e+02 : f32
    %div3A_92 = vector.broadcast %div3A_91 : f32 to vector<384x1xf32>
    %div3A_93 = arith.divf %broadcast_in_dim3A_90, %div3A_92 : vector<384x1xf32>
    %broadcast_in_dim3A_94 = arith.constant 0.000000e+00 : f32
    %broadcast_in_dim3A_95 = vector.broadcast %broadcast_in_dim3A_94 : f32 to vector<1x1xf32>
    %slice3A_96 = vector.extract_strided_slice %div3A_93 {offsets = [0, 0], sizes = [383, 1], strides = [1, 1]} : vector<384x1xf32> to vector<383x1xf32>
    %concatenate3A_97 = tpu.concatenate %broadcast_in_dim3A_95, %slice3A_96 in 0 : vector<1x1xf32>, vector<383x1xf32> -> vector<384x1xf32>
    %slice3A_98 = vector.extract_strided_slice %div3A_93 {offsets = [1, 0], sizes = [383, 1], strides = [1, 1]} : vector<384x1xf32> to vector<383x1xf32>
    %concatenate3A_99 = tpu.concatenate %slice3A_98, %broadcast_in_dim3A_95 in 0 : vector<383x1xf32>, vector<1x1xf32> -> vector<384x1xf32>
    %get3A_100 = arith.constant 0 : index
    %get3A_101 = memref.load %arg1[%get3A_100] : memref<3xf32, #tpu.memory_space<smem>>
    %mul3A_102 = vector.broadcast %get3A_101 : f32 to vector<384x1xf32>
    %mul3A_103 = arith.mulf %concatenate3A_97, %mul3A_102 : vector<384x1xf32>
    %get3A_104 = arith.constant 1 : index
    %get3A_105 = memref.load %arg1[%get3A_104] : memref<3xf32, #tpu.memory_space<smem>>
    %mul3A_106 = vector.broadcast %get3A_105 : f32 to vector<384x1xf32>
    %mul3A_107 = arith.mulf %div3A_93, %mul3A_106 : vector<384x1xf32>
    %add3A_108 = arith.addf %mul3A_103, %mul3A_107 : vector<384x1xf32>
    %get3A_109 = arith.constant 2 : index
    %get3A_110 = memref.load %arg1[%get3A_109] : memref<3xf32, #tpu.memory_space<smem>>
    %mul3A_111 = vector.broadcast %get3A_110 : f32 to vector<384x1xf32>
    %mul3A_112 = arith.mulf %concatenate3A_99, %mul3A_111 : vector<384x1xf32>
    %add3A_113 = arith.addf %add3A_108, %mul3A_112 : vector<384x1xf32>
    %logistic3A_114 = arith.negf %add3A_113 : vector<384x1xf32>
    %logistic3A_115 = math.exp %logistic3A_114 : vector<384x1xf32>
    %logistic3A_116 = arith.constant 1.000000e+00 : f32
    %logistic3A_117 = vector.broadcast %logistic3A_116 : f32 to vector<384x1xf32>
    %logistic3A_118 = arith.addf %logistic3A_117, %logistic3A_115 : vector<384x1xf32>
    %logistic3A_119 = arith.divf %logistic3A_117, %logistic3A_118 : vector<384x1xf32>
    %mul3A_120 = vector.broadcast %logistic3A_119 : vector<384x1xf32> to vector<384x576xf32>
    %mul3A_121 = arith.mulf %get3A_87, %mul3A_120 : vector<384x576xf32>
    %slice3A_122 = vector.extract_strided_slice %mul3A_121 {offsets = [0, 0], sizes = [384, 192], strides = [1, 1]} : vector<384x576xf32> to vector<384x192xf32>
    %swap3A_123 = arith.constant 1 : index
    %swap3A_124 = arith.constant 0 : index
    %swap3A_125 = arith.constant 0 : index
    %swap3A_126 = arith.constant 0 : index
    %swap3A_127 = vector.load %arg3[%swap3A_123, %swap3A_124, %swap3A_125, %swap3A_126] : memref<4x3x384x192xf32, #tpu.memory_space<vmem>>, vector<1x1x384x192xf32>
    %swap3A_128 = vector.shape_cast %swap3A_127 : vector<1x1x384x192xf32> to vector<384x192xf32>
    %swap3A_129 = vector.shape_cast %slice3A_122 : vector<384x192xf32> to vector<1x1x384x192xf32>
    tpu.vector_store %arg3[%swap3A_123, %swap3A_124, %swap3A_125, %swap3A_126], %swap3A_129 {strides = array<i32>} : memref<4x3x384x192xf32, #tpu.memory_space<vmem>>, vector<1x1x384x192xf32>,
    %slice3A_130 = vector.extract_strided_slice %mul3A_121 {offsets = [0, 192], sizes = [384, 192], strides = [1, 1]} : vector<384x576xf32> to vector<384x192xf32>
    %swap3A_131 = arith.constant 1 : index
    %swap3A_132 = arith.constant 1 : index
    %swap3A_133 = arith.constant 0 : index
    %swap3A_134 = arith.constant 0 : index
    %swap3A_135 = vector.load %arg3[%swap3A_131, %swap3A_132, %swap3A_133, %swap3A_134] : memref<4x3x384x192xf32, #tpu.memory_space<vmem>>, vector<1x1x384x192xf32>
    %swap3A_136 = vector.shape_cast %swap3A_135 : vector<1x1x384x192xf32> to vector<384x192xf32>
    %swap3A_137 = vector.shape_cast %slice3A_130 : vector<384x192xf32> to vector<1x1x384x192xf32>
    tpu.vector_store %arg3[%swap3A_131, %swap3A_132, %swap3A_133, %swap3A_134], %swap3A_137 {strides = array<i32>} : memref<4x3x384x192xf32, #tpu.memory_space<vmem>>, vector<1x1x384x192xf32>,
    %slice3A_138 = vector.extract_strided_slice %mul3A_121 {offsets = [0, 384], sizes = [384, 192], strides = [1, 1]} : vector<384x576xf32> to vector<384x192xf32>
    %swap3A_139 = arith.constant 1 : index
    %swap3A_140 = arith.constant 2 : index
    %swap3A_141 = arith.constant 0 : index
    %swap3A_142 = arith.constant 0 : index
    %swap3A_143 = vector.load %arg3[%swap3A_139, %swap3A_140, %swap3A_141, %swap3A_142] : memref<4x3x384x192xf32, #tpu.memory_space<vmem>>, vector<1x1x384x192xf32>
    %swap3A_144 = vector.shape_cast %swap3A_143 : vector<1x1x384x192xf32> to vector<384x192xf32>
    %swap3A_145 = vector.shape_cast %slice3A_138 : vector<384x192xf32> to vector<1x1x384x192xf32>
    tpu.vector_store %arg3[%swap3A_139, %swap3A_140, %swap3A_141, %swap3A_142], %swap3A_145 {strides = array<i32>} : memref<4x3x384x192xf32, #tpu.memory_space<vmem>>, vector<1x1x384x192xf32>,
    %reduce_min3A_146 = arith.constant dense<0x7F800000> : vector<576xf32>
    %reduce_min3A_147 = vector.multi_reduction <minimumf>, %mul3A_121, %reduce_min3A_146 [0] : vector<384x576xf32> to vector<576xf32>
    %broadcast_in_dim3A_148 = vector.shape_cast %reduce_min3A_147 : vector<576xf32> to vector<1x576xf32>
    %reduce_max3A_149 = arith.constant dense<0xFF800000> : vector<576xf32>
    %reduce_max3A_150 = vector.multi_reduction <maximumf>, %mul3A_121, %reduce_max3A_149 [0] : vector<384x576xf32> to vector<576xf32>
    %broadcast_in_dim3A_151 = vector.shape_cast %reduce_max3A_150 : vector<576xf32> to vector<1x576xf32>
    %abs3A_152 = math.absf %broadcast_in_dim3A_148 : vector<1x576xf32>
    %mul3A_153 = arith.constant 0.00999999977 : f32
    %mul3A_154 = vector.broadcast %mul3A_153 : f32 to vector<1x576xf32>
    %mul3A_155 = arith.mulf %abs3A_152, %mul3A_154 : vector<1x576xf32>
    %add3A_156 = arith.constant 1.000000e-30 : f32
    %add3A_157 = vector.broadcast %add3A_156 : f32 to vector<1x576xf32>
    %add3A_158 = arith.addf %mul3A_155, %add3A_157 : vector<1x576xf32>
    %sub3A_159 = arith.subf %broadcast_in_dim3A_148, %add3A_158 : vector<1x576xf32>
    %swap3A_160 = arith.constant 1 : index
    %swap3A_161 = arith.constant 0 : index
    %swap3A_162 = arith.constant 0 : index
    %swap3A_163 = vector.load %arg4[%swap3A_160, %swap3A_161, %swap3A_162] : memref<4x2x576xf32, #tpu.memory_space<vmem>>, vector<1x1x576xf32>
    %swap3A_164 = vector.shape_cast %swap3A_163 : vector<1x1x576xf32> to vector<1x576xf32>
    %swap3A_165 = vector.shape_cast %sub3A_159 : vector<1x576xf32> to vector<1x1x576xf32>
    tpu.vector_store %arg4[%swap3A_160, %swap3A_161, %swap3A_162], %swap3A_165 {strides = array<i32>} : memref<4x2x576xf32, #tpu.memory_space<vmem>>, vector<1x1x576xf32>,
    %abs3A_166 = math.absf %broadcast_in_dim3A_151 : vector<1x576xf32>
    %mul3A_167 = arith.constant 0.00999999977 : f32
    %mul3A_168 = vector.broadcast %mul3A_167 : f32 to vector<1x576xf32>
    %mul3A_169 = arith.mulf %abs3A_166, %mul3A_168 : vector<1x576xf32>
    %add3A_170 = arith.constant 1.000000e-30 : f32
    %add3A_171 = vector.broadcast %add3A_170 : f32 to vector<1x576xf32>
    %add3A_172 = arith.addf %mul3A_169, %add3A_171 : vector<1x576xf32>
    %add3A_173 = arith.addf %broadcast_in_dim3A_151, %add3A_172 : vector<1x576xf32>
    %swap3A_174 = arith.constant 1 : index
    %swap3A_175 = arith.constant 1 : index
    %swap3A_176 = arith.constant 0 : index
    %swap3A_177 = vector.load %arg4[%swap3A_174, %swap3A_175, %swap3A_176] : memref<4x2x576xf32, #tpu.memory_space<vmem>>, vector<1x1x576xf32>
    %swap3A_178 = vector.shape_cast %swap3A_177 : vector<1x1x576xf32> to vector<1x576xf32>
    %swap3A_179 = vector.shape_cast %add3A_173 : vector<1x576xf32> to vector<1x1x576xf32>
    tpu.vector_store %arg4[%swap3A_174, %swap3A_175, %swap3A_176], %swap3A_179 {strides = array<i32>} : memref<4x2x576xf32, #tpu.memory_space<vmem>>, vector<1x1x576xf32>,
    %get3A_180 = arith.constant 2 : index
    %get3A_181 = arith.constant 0 : index
    %get3A_182 = arith.constant 0 : index
    %get3A_183 = vector.load %arg2[%get3A_180, %get3A_181, %get3A_182] : memref<4x384x576xf32, #tpu.memory_space<vmem>>, vector<1x384x576xf32>
    %get3A_184 = vector.shape_cast %get3A_183 : vector<1x384x576xf32> to vector<384x576xf32>
    %reduce_sum3A_185 = arith.constant dense<0.000000e+00> : vector<384xf32>
    %reduce_sum3A_186 = vector.multi_reduction <add>, %get3A_184, %reduce_sum3A_185 [1] : vector<384x576xf32> to vector<384xf32>
    %broadcast_in_dim3A_187 = vector.shape_cast %reduce_sum3A_186 : vector<384xf32> to vector<384x1xf32>
    %div3A_188 = arith.constant 5.760000e+02 : f32
    %div3A_189 = vector.broadcast %div3A_188 : f32 to vector<384x1xf32>
    %div3A_190 = arith.divf %broadcast_in_dim3A_187, %div3A_189 : vector<384x1xf32>
    %broadcast_in_dim3A_191 = arith.constant 0.000000e+00 : f32
    %broadcast_in_dim3A_192 = vector.broadcast %broadcast_in_dim3A_191 : f32 to vector<1x1xf32>
    %slice3A_193 = vector.extract_strided_slice %div3A_190 {offsets = [0, 0], sizes = [383, 1], strides = [1, 1]} : vector<384x1xf32> to vector<383x1xf32>
    %concatenate3A_194 = tpu.concatenate %broadcast_in_dim3A_192, %slice3A_193 in 0 : vector<1x1xf32>, vector<383x1xf32> -> vector<384x1xf32>
    %slice3A_195 = vector.extract_strided_slice %div3A_190 {offsets = [1, 0], sizes = [383, 1], strides = [1, 1]} : vector<384x1xf32> to vector<383x1xf32>
    %concatenate3A_196 = tpu.concatenate %slice3A_195, %broadcast_in_dim3A_192 in 0 : vector<383x1xf32>, vector<1x1xf32> -> vector<384x1xf32>
    %get3A_197 = arith.constant 0 : index
    %get3A_198 = memref.load %arg1[%get3A_197] : memref<3xf32, #tpu.memory_space<smem>>
    %mul3A_199 = vector.broadcast %get3A_198 : f32 to vector<384x1xf32>
    %mul3A_200 = arith.mulf %concatenate3A_194, %mul3A_199 : vector<384x1xf32>
    %get3A_201 = arith.constant 1 : index
    %get3A_202 = memref.load %arg1[%get3A_201] : memref<3xf32, #tpu.memory_space<smem>>
    %mul3A_203 = vector.broadcast %get3A_202 : f32 to vector<384x1xf32>
    %mul3A_204 = arith.mulf %div3A_190, %mul3A_203 : vector<384x1xf32>
    %add3A_205 = arith.addf %mul3A_200, %mul3A_204 : vector<384x1xf32>
    %get3A_206 = arith.constant 2 : index
    %get3A_207 = memref.load %arg1[%get3A_206] : memref<3xf32, #tpu.memory_space<smem>>
    %mul3A_208 = vector.broadcast %get3A_207 : f32 to vector<384x1xf32>
    %mul3A_209 = arith.mulf %concatenate3A_196, %mul3A_208 : vector<384x1xf32>
    %add3A_210 = arith.addf %add3A_205, %mul3A_209 : vector<384x1xf32>
    %logistic3A_211 = arith.negf %add3A_210 : vector<384x1xf32>
    %logistic3A_212 = math.exp %logistic3A_211 : vector<384x1xf32>
    %logistic3A_213 = arith.constant 1.000000e+00 : f32
    %logistic3A_214 = vector.broadcast %logistic3A_213 : f32 to vector<384x1xf32>
    %logistic3A_215 = arith.addf %logistic3A_214, %logistic3A_212 : vector<384x1xf32>
    %logistic3A_216 = arith.divf %logistic3A_214, %logistic3A_215 : vector<384x1xf32>
    %mul3A_217 = vector.broadcast %logistic3A_216 : vector<384x1xf32> to vector<384x576xf32>
    %mul3A_218 = arith.mulf %get3A_184, %mul3A_217 : vector<384x576xf32>
    %slice3A_219 = vector.extract_strided_slice %mul3A_218 {offsets = [0, 0], sizes = [384, 192], strides = [1, 1]} : vector<384x576xf32> to vector<384x192xf32>
    %swap3A_220 = arith.constant 2 : index
    %swap3A_221 = arith.constant 0 : index
    %swap3A_222 = arith.constant 0 : index
    %swap3A_223 = arith.constant 0 : index
    %swap3A_224 = vector.load %arg3[%swap3A_220, %swap3A_221, %swap3A_222, %swap3A_223] : memref<4x3x384x192xf32, #tpu.memory_space<vmem>>, vector<1x1x384x192xf32>
    %swap3A_225 = vector.shape_cast %swap3A_224 : vector<1x1x384x192xf32> to vector<384x192xf32>
    %swap3A_226 = vector.shape_cast %slice3A_219 : vector<384x192xf32> to vector<1x1x384x192xf32>
    tpu.vector_store %arg3[%swap3A_220, %swap3A_221, %swap3A_222, %swap3A_223], %swap3A_226 {strides = array<i32>} : memref<4x3x384x192xf32, #tpu.memory_space<vmem>>, vector<1x1x384x192xf32>,
    %slice3A_227 = vector.extract_strided_slice %mul3A_218 {offsets = [0, 192], sizes = [384, 192], strides = [1, 1]} : vector<384x576xf32> to vector<384x192xf32>
    %swap3A_228 = arith.constant 2 : index
    %swap3A_229 = arith.constant 1 : index
    %swap3A_230 = arith.constant 0 : index
    %swap3A_231 = arith.constant 0 : index
    %swap3A_232 = vector.load %arg3[%swap3A_228, %swap3A_229, %swap3A_230, %swap3A_231] : memref<4x3x384x192xf32, #tpu.memory_space<vmem>>, vector<1x1x384x192xf32>
    %swap3A_233 = vector.shape_cast %swap3A_232 : vector<1x1x384x192xf32> to vector<384x192xf32>
    %swap3A_234 = vector.shape_cast %slice3A_227 : vector<384x192xf32> to vector<1x1x384x192xf32>
    tpu.vector_store %arg3[%swap3A_228, %swap3A_229, %swap3A_230, %swap3A_231], %swap3A_234 {strides = array<i32>} : memref<4x3x384x192xf32, #tpu.memory_space<vmem>>, vector<1x1x384x192xf32>,
    %slice3A_235 = vector.extract_strided_slice %mul3A_218 {offsets = [0, 384], sizes = [384, 192], strides = [1, 1]} : vector<384x576xf32> to vector<384x192xf32>
    %swap3A_236 = arith.constant 2 : index
    %swap3A_237 = arith.constant 2 : index
    %swap3A_238 = arith.constant 0 : index
    %swap3A_239 = arith.constant 0 : index
    %swap3A_240 = vector.load %arg3[%swap3A_236, %swap3A_237, %swap3A_238, %swap3A_239] : memref<4x3x384x192xf32, #tpu.memory_space<vmem>>, vector<1x1x384x192xf32>
    %swap3A_241 = vector.shape_cast %swap3A_240 : vector<1x1x384x192xf32> to vector<384x192xf32>
    %swap3A_242 = vector.shape_cast %slice3A_235 : vector<384x192xf32> to vector<1x1x384x192xf32>
    tpu.vector_store %arg3[%swap3A_236, %swap3A_237, %swap3A_238, %swap3A_239], %swap3A_242 {strides = array<i32>} : memref<4x3x384x192xf32, #tpu.memory_space<vmem>>, vector<1x1x384x192xf32>,
    %reduce_min3A_243 = arith.constant dense<0x7F800000> : vector<576xf32>
    %reduce_min3A_244 = vector.multi_reduction <minimumf>, %mul3A_218, %reduce_min3A_243 [0] : vector<384x576xf32> to vector<576xf32>
    %broadcast_in_dim3A_245 = vector.shape_cast %reduce_min3A_244 : vector<576xf32> to vector<1x576xf32>
    %reduce_max3A_246 = arith.constant dense<0xFF800000> : vector<576xf32>
    %reduce_max3A_247 = vector.multi_reduction <maximumf>, %mul3A_218, %reduce_max3A_246 [0] : vector<384x576xf32> to vector<576xf32>
    %broadcast_in_dim3A_248 = vector.shape_cast %reduce_max3A_247 : vector<576xf32> to vector<1x576xf32>
    %abs3A_249 = math.absf %broadcast_in_dim3A_245 : vector<1x576xf32>
    %mul3A_250 = arith.constant 0.00999999977 : f32
    %mul3A_251 = vector.broadcast %mul3A_250 : f32 to vector<1x576xf32>
    %mul3A_252 = arith.mulf %abs3A_249, %mul3A_251 : vector<1x576xf32>
    %add3A_253 = arith.constant 1.000000e-30 : f32
    %add3A_254 = vector.broadcast %add3A_253 : f32 to vector<1x576xf32>
    %add3A_255 = arith.addf %mul3A_252, %add3A_254 : vector<1x576xf32>
    %sub3A_256 = arith.subf %broadcast_in_dim3A_245, %add3A_255 : vector<1x576xf32>
    %swap3A_257 = arith.constant 2 : index
    %swap3A_258 = arith.constant 0 : index
    %swap3A_259 = arith.constant 0 : index
    %swap3A_260 = vector.load %arg4[%swap3A_257, %swap3A_258, %swap3A_259] : memref<4x2x576xf32, #tpu.memory_space<vmem>>, vector<1x1x576xf32>
    %swap3A_261 = vector.shape_cast %swap3A_260 : vector<1x1x576xf32> to vector<1x576xf32>
    %swap3A_262 = vector.shape_cast %sub3A_256 : vector<1x576xf32> to vector<1x1x576xf32>
    tpu.vector_store %arg4[%swap3A_257, %swap3A_258, %swap3A_259], %swap3A_262 {strides = array<i32>} : memref<4x2x576xf32, #tpu.memory_space<vmem>>, vector<1x1x576xf32>,
    %abs3A_263 = math.absf %broadcast_in_dim3A_248 : vector<1x576xf32>
    %mul3A_264 = arith.constant 0.00999999977 : f32
    %mul3A_265 = vector.broadcast %mul3A_264 : f32 to vector<1x576xf32>
    %mul3A_266 = arith.mulf %abs3A_263, %mul3A_265 : vector<1x576xf32>
    %add3A_267 = arith.constant 1.000000e-30 : f32
    %add3A_268 = vector.broadcast %add3A_267 : f32 to vector<1x576xf32>
    %add3A_269 = arith.addf %mul3A_266, %add3A_268 : vector<1x576xf32>
    %add3A_270 = arith.addf %broadcast_in_dim3A_248, %add3A_269 : vector<1x576xf32>
    %swap3A_271 = arith.constant 2 : index
    %swap3A_272 = arith.constant 1 : index
    %swap3A_273 = arith.constant 0 : index
    %swap3A_274 = vector.load %arg4[%swap3A_271, %swap3A_272, %swap3A_273] : memref<4x2x576xf32, #tpu.memory_space<vmem>>, vector<1x1x576xf32>
    %swap3A_275 = vector.shape_cast %swap3A_274 : vector<1x1x576xf32> to vector<1x576xf32>
    %swap3A_276 = vector.shape_cast %add3A_270 : vector<1x576xf32> to vector<1x1x576xf32>
    tpu.vector_store %arg4[%swap3A_271, %swap3A_272, %swap3A_273], %swap3A_276 {strides = array<i32>} : memref<4x2x576xf32, #tpu.memory_space<vmem>>, vector<1x1x576xf32>,
    %get3A_277 = arith.constant 3 : index
    %get3A_278 = arith.constant 0 : index
    %get3A_279 = arith.constant 0 : index
    %get3A_280 = vector.load %arg2[%get3A_277, %get3A_278, %get3A_279] : memref<4x384x576xf32, #tpu.memory_space<vmem>>, vector<1x384x576xf32>
    %get3A_281 = vector.shape_cast %get3A_280 : vector<1x384x576xf32> to vector<384x576xf32>
    %reduce_sum3A_282 = arith.constant dense<0.000000e+00> : vector<384xf32>
    %reduce_sum3A_283 = vector.multi_reduction <add>, %get3A_281, %reduce_sum3A_282 [1] : vector<384x576xf32> to vector<384xf32>
    %broadcast_in_dim3A_284 = vector.shape_cast %reduce_sum3A_283 : vector<384xf32> to vector<384x1xf32>
    %div3A_285 = arith.constant 5.760000e+02 : f32
    %div3A_286 = vector.broadcast %div3A_285 : f32 to vector<384x1xf32>
    %div3A_287 = arith.divf %broadcast_in_dim3A_284, %div3A_286 : vector<384x1xf32>
    %broadcast_in_dim3A_288 = arith.constant 0.000000e+00 : f32
    %broadcast_in_dim3A_289 = vector.broadcast %broadcast_in_dim3A_288 : f32 to vector<1x1xf32>
    %slice3A_290 = vector.extract_strided_slice %div3A_287 {offsets = [0, 0], sizes = [383, 1], strides = [1, 1]} : vector<384x1xf32> to vector<383x1xf32>
    %concatenate3A_291 = tpu.concatenate %broadcast_in_dim3A_289, %slice3A_290 in 0 : vector<1x1xf32>, vector<383x1xf32> -> vector<384x1xf32>
    %slice3A_292 = vector.extract_strided_slice %div3A_287 {offsets = [1, 0], sizes = [383, 1], strides = [1, 1]} : vector<384x1xf32> to vector<383x1xf32>
    %concatenate3A_293 = tpu.concatenate %slice3A_292, %broadcast_in_dim3A_289 in 0 : vector<383x1xf32>, vector<1x1xf32> -> vector<384x1xf32>
    %get3A_294 = arith.constant 0 : index
    %get3A_295 = memref.load %arg1[%get3A_294] : memref<3xf32, #tpu.memory_space<smem>>
    %mul3A_296 = vector.broadcast %get3A_295 : f32 to vector<384x1xf32>
    %mul3A_297 = arith.mulf %concatenate3A_291, %mul3A_296 : vector<384x1xf32>
    %get3A_298 = arith.constant 1 : index
    %get3A_299 = memref.load %arg1[%get3A_298] : memref<3xf32, #tpu.memory_space<smem>>
    %mul3A_300 = vector.broadcast %get3A_299 : f32 to vector<384x1xf32>
    %mul3A_301 = arith.mulf %div3A_287, %mul3A_300 : vector<384x1xf32>
    %add3A_302 = arith.addf %mul3A_297, %mul3A_301 : vector<384x1xf32>
    %get3A_303 = arith.constant 2 : index
    %get3A_304 = memref.load %arg1[%get3A_303] : memref<3xf32, #tpu.memory_space<smem>>
    %mul3A_305 = vector.broadcast %get3A_304 : f32 to vector<384x1xf32>
    %mul3A_306 = arith.mulf %concatenate3A_293, %mul3A_305 : vector<384x1xf32>
    %add3A_307 = arith.addf %add3A_302, %mul3A_306 : vector<384x1xf32>
    %logistic3A_308 = arith.negf %add3A_307 : vector<384x1xf32>
    %logistic3A_309 = math.exp %logistic3A_308 : vector<384x1xf32>
    %logistic3A_310 = arith.constant 1.000000e+00 : f32
    %logistic3A_311 = vector.broadcast %logistic3A_310 : f32 to vector<384x1xf32>
    %logistic3A_312 = arith.addf %logistic3A_311, %logistic3A_309 : vector<384x1xf32>
    %logistic3A_313 = arith.divf %logistic3A_311, %logistic3A_312 : vector<384x1xf32>
    %mul3A_314 = vector.broadcast %logistic3A_313 : vector<384x1xf32> to vector<384x576xf32>
    %mul3A_315 = arith.mulf %get3A_281, %mul3A_314 : vector<384x576xf32>
    %slice3A_316 = vector.extract_strided_slice %mul3A_315 {offsets = [0, 0], sizes = [384, 192], strides = [1, 1]} : vector<384x576xf32> to vector<384x192xf32>
    %swap3A_317 = arith.constant 3 : index
    %swap3A_318 = arith.constant 0 : index
    %swap3A_319 = arith.constant 0 : index
    %swap3A_320 = arith.constant 0 : index
    %swap3A_321 = vector.load %arg3[%swap3A_317, %swap3A_318, %swap3A_319, %swap3A_320] : memref<4x3x384x192xf32, #tpu.memory_space<vmem>>, vector<1x1x384x192xf32>
    %swap3A_322 = vector.shape_cast %swap3A_321 : vector<1x1x384x192xf32> to vector<384x192xf32>
    %swap3A_323 = vector.shape_cast %slice3A_316 : vector<384x192xf32> to vector<1x1x384x192xf32>
    tpu.vector_store %arg3[%swap3A_317, %swap3A_318, %swap3A_319, %swap3A_320], %swap3A_323 {strides = array<i32>} : memref<4x3x384x192xf32, #tpu.memory_space<vmem>>, vector<1x1x384x192xf32>,
    %slice3A_324 = vector.extract_strided_slice %mul3A_315 {offsets = [0, 192], sizes = [384, 192], strides = [1, 1]} : vector<384x576xf32> to vector<384x192xf32>
    %swap3A_325 = arith.constant 3 : index
    %swap3A_326 = arith.constant 1 : index
    %swap3A_327 = arith.constant 0 : index
    %swap3A_328 = arith.constant 0 : index
    %swap3A_329 = vector.load %arg3[%swap3A_325, %swap3A_326, %swap3A_327, %swap3A_328] : memref<4x3x384x192xf32, #tpu.memory_space<vmem>>, vector<1x1x384x192xf32>
    %swap3A_330 = vector.shape_cast %swap3A_329 : vector<1x1x384x192xf32> to vector<384x192xf32>
    %swap3A_331 = vector.shape_cast %slice3A_324 : vector<384x192xf32> to vector<1x1x384x192xf32>
    tpu.vector_store %arg3[%swap3A_325, %swap3A_326, %swap3A_327, %swap3A_328], %swap3A_331 {strides = array<i32>} : memref<4x3x384x192xf32, #tpu.memory_space<vmem>>, vector<1x1x384x192xf32>,
    %slice3A_332 = vector.extract_strided_slice %mul3A_315 {offsets = [0, 384], sizes = [384, 192], strides = [1, 1]} : vector<384x576xf32> to vector<384x192xf32>
    %swap3A_333 = arith.constant 3 : index
    %swap3A_334 = arith.constant 2 : index
    %swap3A_335 = arith.constant 0 : index
    %swap3A_336 = arith.constant 0 : index
    %swap3A_337 = vector.load %arg3[%swap3A_333, %swap3A_334, %swap3A_335, %swap3A_336] : memref<4x3x384x192xf32, #tpu.memory_space<vmem>>, vector<1x1x384x192xf32>
    %swap3A_338 = vector.shape_cast %swap3A_337 : vector<1x1x384x192xf32> to vector<384x192xf32>
    %swap3A_339 = vector.shape_cast %slice3A_332 : vector<384x192xf32> to vector<1x1x384x192xf32>
    tpu.vector_store %arg3[%swap3A_333, %swap3A_334, %swap3A_335, %swap3A_336], %swap3A_339 {strides = array<i32>} : memref<4x3x384x192xf32, #tpu.memory_space<vmem>>, vector<1x1x384x192xf32>,
    %reduce_min3A_340 = arith.constant dense<0x7F800000> : vector<576xf32>
    %reduce_min3A_341 = vector.multi_reduction <minimumf>, %mul3A_315, %reduce_min3A_340 [0] : vector<384x576xf32> to vector<576xf32>
    %broadcast_in_dim3A_342 = vector.shape_cast %reduce_min3A_341 : vector<576xf32> to vector<1x576xf32>
    %reduce_max3A_343 = arith.constant dense<0xFF800000> : vector<576xf32>
    %reduce_max3A_344 = vector.multi_reduction <maximumf>, %mul3A_315, %reduce_max3A_343 [0] : vector<384x576xf32> to vector<576xf32>
    %broadcast_in_dim3A_345 = vector.shape_cast %reduce_max3A_344 : vector<576xf32> to vector<1x576xf32>
    %abs3A_346 = math.absf %broadcast_in_dim3A_342 : vector<1x576xf32>
    %mul3A_347 = arith.constant 0.00999999977 : f32
    %mul3A_348 = vector.broadcast %mul3A_347 : f32 to vector<1x576xf32>
    %mul3A_349 = arith.mulf %abs3A_346, %mul3A_348 : vector<1x576xf32>
    %add3A_350 = arith.constant 1.000000e-30 : f32
    %add3A_351 = vector.broadcast %add3A_350 : f32 to vector<1x576xf32>
    %add3A_352 = arith.addf %mul3A_349, %add3A_351 : vector<1x576xf32>
    %sub3A_353 = arith.subf %broadcast_in_dim3A_342, %add3A_352 : vector<1x576xf32>
    %swap3A_354 = arith.constant 3 : index
    %swap3A_355 = arith.constant 0 : index
    %swap3A_356 = arith.constant 0 : index
    %swap3A_357 = vector.load %arg4[%swap3A_354, %swap3A_355, %swap3A_356] : memref<4x2x576xf32, #tpu.memory_space<vmem>>, vector<1x1x576xf32>
    %swap3A_358 = vector.shape_cast %swap3A_357 : vector<1x1x576xf32> to vector<1x576xf32>
    %swap3A_359 = vector.shape_cast %sub3A_353 : vector<1x576xf32> to vector<1x1x576xf32>
    tpu.vector_store %arg4[%swap3A_354, %swap3A_355, %swap3A_356], %swap3A_359 {strides = array<i32>} : memref<4x2x576xf32, #tpu.memory_space<vmem>>, vector<1x1x576xf32>,
    %abs3A_360 = math.absf %broadcast_in_dim3A_345 : vector<1x576xf32>
    %mul3A_361 = arith.constant 0.00999999977 : f32
    %mul3A_362 = vector.broadcast %mul3A_361 : f32 to vector<1x576xf32>
    %mul3A_363 = arith.mulf %abs3A_360, %mul3A_362 : vector<1x576xf32>
    %add3A_364 = arith.constant 1.000000e-30 : f32
    %add3A_365 = vector.broadcast %add3A_364 : f32 to vector<1x576xf32>
    %add3A_366 = arith.addf %mul3A_363, %add3A_365 : vector<1x576xf32>
    %add3A_367 = arith.addf %broadcast_in_dim3A_345, %add3A_366 : vector<1x576xf32>
    %swap3A_368 = arith.constant 3 : index
    %swap3A_369 = arith.constant 1 : index
    %swap3A_370 = arith.constant 0 : index
    %swap3A_371 = vector.load %arg4[%swap3A_368, %swap3A_369, %swap3A_370] : memref<4x2x576xf32, #tpu.memory_space<vmem>>, vector<1x1x576xf32>
    %swap3A_372 = vector.shape_cast %swap3A_371 : vector<1x1x576xf32> to vector<1x576xf32>
    %swap3A_373 = vector.shape_cast %add3A_367 : vector<1x576xf32> to vector<1x1x576xf32>
    tpu.vector_store %arg4[%swap3A_368, %swap3A_369, %swap3A_370], %swap3A_373 {strides = array<i32>} : memref<4x2x576xf32, #tpu.memory_space<vmem>>, vector<1x1x576xf32>,
    return
  }
  func.func @transform_0(%arg0: i32) -> i32 {
    %c0_i32 = arith.constant 0 : i32
    %c0_i32_0 = arith.constant 0 : i32
    return %c0_i32 : i32
  }
  func.func @transform_1(%arg0: i32) -> (i32, i32, i32) {
    %c0_i32 = arith.constant 0 : i32
    %c0_i32_0 = arith.constant 0 : i32
    %c0_i32_1 = arith.constant 0 : i32
    return %arg0, %c0_i32, %c0_i32_0 : i32, i32, i32
  }
  func.func @transform_2(%arg0: i32) -> (i32, i32, i32, i32) {
    %c0_i32 = arith.constant 0 : i32
    %c0_i32_0 = arith.constant 0 : i32
    %c0_i32_1 = arith.constant 0 : i32
    %c0_i32_2 = arith.constant 0 : i32
    return %arg0, %c0_i32, %c0_i32_0, %c0_i32_1 : i32, i32, i32, i32
  }
  func.func @transform_3(%arg0: i32) -> (i32, i32, i32) {
    %c0_i32 = arith.constant 0 : i32
    %c0_i32_0 = arith.constant 0 : i32
    %c0_i32_1 = arith.constant 0 : i32
    return %arg0, %c0_i32, %c0_i32_0 : i32, i32, i32
  }
}

module attributes {stable_mosaic.version = 14 : i64} {
  func.func @_tc_topk_body(%arg0: i32, %arg1: memref<1x3x384x192xf32, #tpu.memory_space<vmem>>, %arg2: memref<1x2x576xf32, #tpu.memory_space<vmem>>, %arg3: memref<1x1x576xf32, #tpu.memory_space<vmem>>) attributes {dimension_semantics = [#tpu.dimension_semantics<arbitrary>], iteration_bounds = array<i64: 22>, scalar_prefetch = 0 : i64, scratch_operands = 0 : i64, tpu.core_type = #tpu.core_type<tc>, window_params = [{transform_indices = @transform_0, window_bounds = array<i64: 1, 3, 384, 192>}, {transform_indices = @transform_1, window_bounds = array<i64: 1, 2, 576>}, {transform_indices = @transform_2, window_bounds = array<i64: 1, 1, 576>}]} {
    %get3A = arith.constant 0 : index
    %get3A_0 = arith.constant 0 : index
    %get3A_1 = arith.constant 0 : index
    %get3A_2 = arith.constant 0 : index
    %get3A_3 = vector.load %arg1[%get3A, %get3A_0, %get3A_1, %get3A_2] : memref<1x3x384x192xf32, #tpu.memory_space<vmem>>, vector<1x1x384x192xf32>
    %get3A_4 = vector.shape_cast %get3A_3 : vector<1x1x384x192xf32> to vector<384x192xf32>
    %get3A_5 = arith.constant 0 : index
    %get3A_6 = arith.constant 0 : index
    %get3A_7 = arith.constant 0 : index
    %get3A_8 = vector.load %arg2[%get3A_5, %get3A_6, %get3A_7] : memref<1x2x576xf32, #tpu.memory_space<vmem>>, vector<1x1x192xf32>
    %get3A_9 = vector.shape_cast %get3A_8 : vector<1x1x192xf32> to vector<1x192xf32>
    %get3A_10 = arith.constant 0 : index
    %get3A_11 = arith.constant 1 : index
    %get3A_12 = arith.constant 0 : index
    %get3A_13 = vector.load %arg2[%get3A_10, %get3A_11, %get3A_12] : memref<1x2x576xf32, #tpu.memory_space<vmem>>, vector<1x1x192xf32>
    %get3A_14 = vector.shape_cast %get3A_13 : vector<1x1x192xf32> to vector<1x192xf32>
    %scan3A = arith.constant 1.920000e+02 : f32
    %scan3A_15 = arith.constant 0 : i32
    %scan3A_16 = arith.constant 7 : i32
    %scan3A_17 = arith.addi %scan3A_15, %scan3A_16 : i32
    %scan3A_18 = arith.constant 1 : i32
    %scan3A_19:2 = scf.for %scan3A_122 = %scan3A_15 to %scan3A_17 step %scan3A_18 iter_args(%scan3A_123 = %get3A_9, %scan3A_124 = %get3A_14) -> (vector<1x192xf32>, vector<1x192xf32>)  : i32 {
      %add3A_125 = arith.addf %scan3A_123, %scan3A_124 : vector<1x192xf32>
      %mul3A_126 = arith.constant 5.000000e-01 : f32
      %mul3A_127 = vector.broadcast %mul3A_126 : f32 to vector<1x192xf32>
      %mul3A_128 = arith.mulf %add3A_125, %mul3A_127 : vector<1x192xf32>
      %ge3A = vector.broadcast %mul3A_128 : vector<1x192xf32> to vector<384x192xf32>
      %ge3A_129 = arith.cmpf oge, %get3A_4, %ge3A : vector<384x192xf32>
      %convert_element_type3A = arith.extui %ge3A_129 : vector<384x192xi1> to vector<384x192xi32>
      %convert_element_type3A_130 = arith.sitofp %convert_element_type3A : vector<384x192xi32> to vector<384x192xf32>
      %reduce_sum3A_131 = arith.constant dense<0.000000e+00> : vector<192xf32>
      %reduce_sum3A_132 = vector.multi_reduction <add>, %convert_element_type3A_130, %reduce_sum3A_131 [0] : vector<384x192xf32> to vector<192xf32>
      %broadcast_in_dim3A_133 = vector.shape_cast %reduce_sum3A_132 : vector<192xf32> to vector<1x192xf32>
      %ge3A_134 = vector.broadcast %scan3A : f32 to vector<1x192xf32>
      %ge3A_135 = arith.cmpf oge, %broadcast_in_dim3A_133, %ge3A_134 : vector<1x192xf32>
      %select_n3A = arith.select %ge3A_135, %mul3A_128, %scan3A_123 : vector<1x192xi1>, vector<1x192xf32>
      %select_n3A_136 = arith.select %ge3A_135, %scan3A_124, %mul3A_128 : vector<1x192xi1>, vector<1x192xf32>
      scf.yield %select_n3A, %select_n3A_136 : vector<1x192xf32>, vector<1x192xf32>
    }
    %sub3A = vector.broadcast %scan3A_19#0 : vector<1x192xf32> to vector<384x192xf32>
    %sub3A_20 = arith.subf %get3A_4, %sub3A : vector<384x192xf32>
    %max3A = arith.constant 0.000000e+00 : f32
    %max3A_21 = vector.broadcast %max3A : f32 to vector<384x192xf32>
    %max3A_22 = arith.maximumf %sub3A_20, %max3A_21 : vector<384x192xf32>
    %reduce_sum3A = arith.constant dense<0.000000e+00> : vector<192xf32>
    %reduce_sum3A_23 = vector.multi_reduction <add>, %max3A_22, %reduce_sum3A [0] : vector<384x192xf32> to vector<192xf32>
    %broadcast_in_dim3A = vector.shape_cast %reduce_sum3A_23 : vector<192xf32> to vector<1x192xf32>
    %mul3A = arith.constant 1.920000e+02 : f32
    %mul3A_24 = vector.broadcast %mul3A : f32 to vector<1x192xf32>
    %mul3A_25 = arith.mulf %mul3A_24, %scan3A_19#0 : vector<1x192xf32>
    %add3A = arith.addf %broadcast_in_dim3A, %mul3A_25 : vector<1x192xf32>
    %mul3A_26 = arith.constant 0.00520833349 : f32
    %mul3A_27 = vector.broadcast %mul3A_26 : f32 to vector<1x192xf32>
    %mul3A_28 = arith.mulf %add3A, %mul3A_27 : vector<1x192xf32>
    %squeeze3A = vector.shape_cast %mul3A_28 : vector<1x192xf32> to vector<192xf32>
    %swap3A = arith.constant 0 : index
    %swap3A_29 = arith.constant 0 : index
    %swap3A_30 = arith.constant 0 : index
    %swap3A_31 = vector.load %arg3[%swap3A, %swap3A_29, %swap3A_30] : memref<1x1x576xf32, #tpu.memory_space<vmem>>, vector<1x1x192xf32>
    %swap3A_32 = vector.shape_cast %swap3A_31 : vector<1x1x192xf32> to vector<192xf32>
    %swap3A_33 = vector.shape_cast %squeeze3A : vector<192xf32> to vector<1x1x192xf32>
    tpu.vector_store %arg3[%swap3A, %swap3A_29, %swap3A_30], %swap3A_33 {strides = array<i32>} : memref<1x1x576xf32, #tpu.memory_space<vmem>>, vector<1x1x192xf32>,
    %get3A_34 = arith.constant 0 : index
    %get3A_35 = arith.constant 1 : index
    %get3A_36 = arith.constant 0 : index
    %get3A_37 = arith.constant 0 : index
    %get3A_38 = vector.load %arg1[%get3A_34, %get3A_35, %get3A_36, %get3A_37] : memref<1x3x384x192xf32, #tpu.memory_space<vmem>>, vector<1x1x384x192xf32>
    %get3A_39 = vector.shape_cast %get3A_38 : vector<1x1x384x192xf32> to vector<384x192xf32>
    %get3A_40 = arith.constant 0 : index
    %get3A_41 = arith.constant 0 : index
    %get3A_42 = arith.constant 192 : index
    %get3A_43 = vector.load %arg2[%get3A_40, %get3A_41, %get3A_42] : memref<1x2x576xf32, #tpu.memory_space<vmem>>, vector<1x1x192xf32>
    %get3A_44 = vector.shape_cast %get3A_43 : vector<1x1x192xf32> to vector<1x192xf32>
    %get3A_45 = arith.constant 0 : index
    %get3A_46 = arith.constant 1 : index
    %get3A_47 = arith.constant 192 : index
    %get3A_48 = vector.load %arg2[%get3A_45, %get3A_46, %get3A_47] : memref<1x2x576xf32, #tpu.memory_space<vmem>>, vector<1x1x192xf32>
    %get3A_49 = vector.shape_cast %get3A_48 : vector<1x1x192xf32> to vector<1x192xf32>
    %scan3A_50 = arith.constant 1.920000e+02 : f32
    %scan3A_51 = arith.constant 0 : i32
    %scan3A_52 = arith.constant 7 : i32
    %scan3A_53 = arith.addi %scan3A_51, %scan3A_52 : i32
    %scan3A_54 = arith.constant 1 : i32
    %scan3A_55:2 = scf.for %scan3A_122 = %scan3A_51 to %scan3A_53 step %scan3A_54 iter_args(%scan3A_123 = %get3A_44, %scan3A_124 = %get3A_49) -> (vector<1x192xf32>, vector<1x192xf32>)  : i32 {
      %add3A_125 = arith.addf %scan3A_123, %scan3A_124 : vector<1x192xf32>
      %mul3A_126 = arith.constant 5.000000e-01 : f32
      %mul3A_127 = vector.broadcast %mul3A_126 : f32 to vector<1x192xf32>
      %mul3A_128 = arith.mulf %add3A_125, %mul3A_127 : vector<1x192xf32>
      %ge3A = vector.broadcast %mul3A_128 : vector<1x192xf32> to vector<384x192xf32>
      %ge3A_129 = arith.cmpf oge, %get3A_39, %ge3A : vector<384x192xf32>
      %convert_element_type3A = arith.extui %ge3A_129 : vector<384x192xi1> to vector<384x192xi32>
      %convert_element_type3A_130 = arith.sitofp %convert_element_type3A : vector<384x192xi32> to vector<384x192xf32>
      %reduce_sum3A_131 = arith.constant dense<0.000000e+00> : vector<192xf32>
      %reduce_sum3A_132 = vector.multi_reduction <add>, %convert_element_type3A_130, %reduce_sum3A_131 [0] : vector<384x192xf32> to vector<192xf32>
      %broadcast_in_dim3A_133 = vector.shape_cast %reduce_sum3A_132 : vector<192xf32> to vector<1x192xf32>
      %ge3A_134 = vector.broadcast %scan3A_50 : f32 to vector<1x192xf32>
      %ge3A_135 = arith.cmpf oge, %broadcast_in_dim3A_133, %ge3A_134 : vector<1x192xf32>
      %select_n3A = arith.select %ge3A_135, %mul3A_128, %scan3A_123 : vector<1x192xi1>, vector<1x192xf32>
      %select_n3A_136 = arith.select %ge3A_135, %scan3A_124, %mul3A_128 : vector<1x192xi1>, vector<1x192xf32>
      scf.yield %select_n3A, %select_n3A_136 : vector<1x192xf32>, vector<1x192xf32>
    }
    %sub3A_56 = vector.broadcast %scan3A_55#0 : vector<1x192xf32> to vector<384x192xf32>
    %sub3A_57 = arith.subf %get3A_39, %sub3A_56 : vector<384x192xf32>
    %max3A_58 = arith.constant 0.000000e+00 : f32
    %max3A_59 = vector.broadcast %max3A_58 : f32 to vector<384x192xf32>
    %max3A_60 = arith.maximumf %sub3A_57, %max3A_59 : vector<384x192xf32>
    %reduce_sum3A_61 = arith.constant dense<0.000000e+00> : vector<192xf32>
    %reduce_sum3A_62 = vector.multi_reduction <add>, %max3A_60, %reduce_sum3A_61 [0] : vector<384x192xf32> to vector<192xf32>
    %broadcast_in_dim3A_63 = vector.shape_cast %reduce_sum3A_62 : vector<192xf32> to vector<1x192xf32>
    %mul3A_64 = arith.constant 1.920000e+02 : f32
    %mul3A_65 = vector.broadcast %mul3A_64 : f32 to vector<1x192xf32>
    %mul3A_66 = arith.mulf %mul3A_65, %scan3A_55#0 : vector<1x192xf32>
    %add3A_67 = arith.addf %broadcast_in_dim3A_63, %mul3A_66 : vector<1x192xf32>
    %mul3A_68 = arith.constant 0.00520833349 : f32
    %mul3A_69 = vector.broadcast %mul3A_68 : f32 to vector<1x192xf32>
    %mul3A_70 = arith.mulf %add3A_67, %mul3A_69 : vector<1x192xf32>
    %squeeze3A_71 = vector.shape_cast %mul3A_70 : vector<1x192xf32> to vector<192xf32>
    %swap3A_72 = arith.constant 0 : index
    %swap3A_73 = arith.constant 0 : index
    %swap3A_74 = arith.constant 192 : index
    %swap3A_75 = vector.load %arg3[%swap3A_72, %swap3A_73, %swap3A_74] : memref<1x1x576xf32, #tpu.memory_space<vmem>>, vector<1x1x192xf32>
    %swap3A_76 = vector.shape_cast %swap3A_75 : vector<1x1x192xf32> to vector<192xf32>
    %swap3A_77 = vector.shape_cast %squeeze3A_71 : vector<192xf32> to vector<1x1x192xf32>
    tpu.vector_store %arg3[%swap3A_72, %swap3A_73, %swap3A_74], %swap3A_77 {strides = array<i32>} : memref<1x1x576xf32, #tpu.memory_space<vmem>>, vector<1x1x192xf32>,
    %get3A_78 = arith.constant 0 : index
    %get3A_79 = arith.constant 2 : index
    %get3A_80 = arith.constant 0 : index
    %get3A_81 = arith.constant 0 : index
    %get3A_82 = vector.load %arg1[%get3A_78, %get3A_79, %get3A_80, %get3A_81] : memref<1x3x384x192xf32, #tpu.memory_space<vmem>>, vector<1x1x384x192xf32>
    %get3A_83 = vector.shape_cast %get3A_82 : vector<1x1x384x192xf32> to vector<384x192xf32>
    %get3A_84 = arith.constant 0 : index
    %get3A_85 = arith.constant 0 : index
    %get3A_86 = arith.constant 384 : index
    %get3A_87 = vector.load %arg2[%get3A_84, %get3A_85, %get3A_86] : memref<1x2x576xf32, #tpu.memory_space<vmem>>, vector<1x1x192xf32>
    %get3A_88 = vector.shape_cast %get3A_87 : vector<1x1x192xf32> to vector<1x192xf32>
    %get3A_89 = arith.constant 0 : index
    %get3A_90 = arith.constant 1 : index
    %get3A_91 = arith.constant 384 : index
    %get3A_92 = vector.load %arg2[%get3A_89, %get3A_90, %get3A_91] : memref<1x2x576xf32, #tpu.memory_space<vmem>>, vector<1x1x192xf32>
    %get3A_93 = vector.shape_cast %get3A_92 : vector<1x1x192xf32> to vector<1x192xf32>
    %scan3A_94 = arith.constant 1.920000e+02 : f32
    %scan3A_95 = arith.constant 0 : i32
    %scan3A_96 = arith.constant 7 : i32
    %scan3A_97 = arith.addi %scan3A_95, %scan3A_96 : i32
    %scan3A_98 = arith.constant 1 : i32
    %scan3A_99:2 = scf.for %scan3A_122 = %scan3A_95 to %scan3A_97 step %scan3A_98 iter_args(%scan3A_123 = %get3A_88, %scan3A_124 = %get3A_93) -> (vector<1x192xf32>, vector<1x192xf32>)  : i32 {
      %add3A_125 = arith.addf %scan3A_123, %scan3A_124 : vector<1x192xf32>
      %mul3A_126 = arith.constant 5.000000e-01 : f32
      %mul3A_127 = vector.broadcast %mul3A_126 : f32 to vector<1x192xf32>
      %mul3A_128 = arith.mulf %add3A_125, %mul3A_127 : vector<1x192xf32>
      %ge3A = vector.broadcast %mul3A_128 : vector<1x192xf32> to vector<384x192xf32>
      %ge3A_129 = arith.cmpf oge, %get3A_83, %ge3A : vector<384x192xf32>
      %convert_element_type3A = arith.extui %ge3A_129 : vector<384x192xi1> to vector<384x192xi32>
      %convert_element_type3A_130 = arith.sitofp %convert_element_type3A : vector<384x192xi32> to vector<384x192xf32>
      %reduce_sum3A_131 = arith.constant dense<0.000000e+00> : vector<192xf32>
      %reduce_sum3A_132 = vector.multi_reduction <add>, %convert_element_type3A_130, %reduce_sum3A_131 [0] : vector<384x192xf32> to vector<192xf32>
      %broadcast_in_dim3A_133 = vector.shape_cast %reduce_sum3A_132 : vector<192xf32> to vector<1x192xf32>
      %ge3A_134 = vector.broadcast %scan3A_94 : f32 to vector<1x192xf32>
      %ge3A_135 = arith.cmpf oge, %broadcast_in_dim3A_133, %ge3A_134 : vector<1x192xf32>
      %select_n3A = arith.select %ge3A_135, %mul3A_128, %scan3A_123 : vector<1x192xi1>, vector<1x192xf32>
      %select_n3A_136 = arith.select %ge3A_135, %scan3A_124, %mul3A_128 : vector<1x192xi1>, vector<1x192xf32>
      scf.yield %select_n3A, %select_n3A_136 : vector<1x192xf32>, vector<1x192xf32>
    }
    %sub3A_100 = vector.broadcast %scan3A_99#0 : vector<1x192xf32> to vector<384x192xf32>
    %sub3A_101 = arith.subf %get3A_83, %sub3A_100 : vector<384x192xf32>
    %max3A_102 = arith.constant 0.000000e+00 : f32
    %max3A_103 = vector.broadcast %max3A_102 : f32 to vector<384x192xf32>
    %max3A_104 = arith.maximumf %sub3A_101, %max3A_103 : vector<384x192xf32>
    %reduce_sum3A_105 = arith.constant dense<0.000000e+00> : vector<192xf32>
    %reduce_sum3A_106 = vector.multi_reduction <add>, %max3A_104, %reduce_sum3A_105 [0] : vector<384x192xf32> to vector<192xf32>
    %broadcast_in_dim3A_107 = vector.shape_cast %reduce_sum3A_106 : vector<192xf32> to vector<1x192xf32>
    %mul3A_108 = arith.constant 1.920000e+02 : f32
    %mul3A_109 = vector.broadcast %mul3A_108 : f32 to vector<1x192xf32>
    %mul3A_110 = arith.mulf %mul3A_109, %scan3A_99#0 : vector<1x192xf32>
    %add3A_111 = arith.addf %broadcast_in_dim3A_107, %mul3A_110 : vector<1x192xf32>
    %mul3A_112 = arith.constant 0.00520833349 : f32
    %mul3A_113 = vector.broadcast %mul3A_112 : f32 to vector<1x192xf32>
    %mul3A_114 = arith.mulf %add3A_111, %mul3A_113 : vector<1x192xf32>
    %squeeze3A_115 = vector.shape_cast %mul3A_114 : vector<1x192xf32> to vector<192xf32>
    %swap3A_116 = arith.constant 0 : index
    %swap3A_117 = arith.constant 0 : index
    %swap3A_118 = arith.constant 384 : index
    %swap3A_119 = vector.load %arg3[%swap3A_116, %swap3A_117, %swap3A_118] : memref<1x1x576xf32, #tpu.memory_space<vmem>>, vector<1x1x192xf32>
    %swap3A_120 = vector.shape_cast %swap3A_119 : vector<1x1x192xf32> to vector<192xf32>
    %swap3A_121 = vector.shape_cast %squeeze3A_115 : vector<192xf32> to vector<1x1x192xf32>
    tpu.vector_store %arg3[%swap3A_116, %swap3A_117, %swap3A_118], %swap3A_121 {strides = array<i32>} : memref<1x1x576xf32, #tpu.memory_space<vmem>>, vector<1x1x192xf32>,
    return
  }
  func.func @transform_0(%arg0: i32) -> (i32, i32, i32, i32) {
    %add3A = arith.constant 10 : i32
    %add3A_0 = arith.addi %arg0, %add3A : i32
    %c0_i32 = arith.constant 0 : i32
    %c0_i32_1 = arith.constant 0 : i32
    %c0_i32_2 = arith.constant 0 : i32
    %c0_i32_3 = arith.constant 0 : i32
    return %add3A_0, %c0_i32, %c0_i32_1, %c0_i32_2 : i32, i32, i32, i32
  }
  func.func @transform_1(%arg0: i32) -> (i32, i32, i32) {
    %add3A = arith.constant 10 : i32
    %add3A_0 = arith.addi %arg0, %add3A : i32
    %c0_i32 = arith.constant 0 : i32
    %c0_i32_1 = arith.constant 0 : i32
    %c0_i32_2 = arith.constant 0 : i32
    return %add3A_0, %c0_i32, %c0_i32_1 : i32, i32, i32
  }
  func.func @transform_2(%arg0: i32) -> (i32, i32, i32) {
    %c0_i32 = arith.constant 0 : i32
    %c0_i32_0 = arith.constant 0 : i32
    %c0_i32_1 = arith.constant 0 : i32
    return %arg0, %c0_i32, %c0_i32_0 : i32, i32, i32
  }
}

</mosaic_0001>

<sc_bundles>
// kernel: kernel.5.cloned.1.call-start
scs
__scs_entry_jumppad:
0x0: {  	(pc) =	sbr.rel $0x88, $3  }
0x1: {  	(tag) =	ssettag $0x0;
	lr =	simm.s32 $0x1  }
0x2: {  	[smem:$0x3F9F] =	sst lr;
	_ =	strace $0xD0000000  }
0x3: {  	_ = 	snop  }
0x4: {  	_ = 	snop  }
0x5: {  	_ = 	snop  }
0x6: {  	_ = 	snop  }
0x7: {  	_ = 	snop  }
__scs_overlays_trampoline_lowered:
0x8: {  	[smem:$0x3FAE] =	sst s0  }
0x9: {  	[smem:$0x3FAF] =	sst s1  }
0xa: {  	[smem:$0x3FB0] =	sst s2  }
0xb: {  	[smem:$0x3FB1] =	sst s3  }
0xc: {  	[smem:$0x3FB2] =	sst s4  }
0xd: {  	[smem:$0x3FB3] =	sst s5  }
0xe: {  	[smem:$0x3FB4] =	sst s6  }
0xf: {  	[smem:$0x3FB5] =	sst s7  }
0x10: {  	[smem:$0x3FB6] =	sst s8  }
0x11: {  	[smem:$0x3FB7] =	sst s9;
	s0 =	simm.s32 @!p0 $0x0  }
0x12: {  	s1 =	sld [smem:$0x3F9D];
	s0 =	simm.s32 @p0 $0x1  }
0x13: {  	[smem:$0x3FB8] =	sst s0;
	s0 =	simm.s32 @!p1 $0x0  }
0x14: {  	s2 =	sld [smem:$0x3F9C];
	s0 =	simm.s32 @p1 $0x1  }
0x15: {  	[smem:$0x3FB9] =	sst s0;
	s0 =	simm.s32 @!p2 $0x0  }
0x16: {  	s3 =	sld [smem:$0x3FDB];
	s0 =	simm.s32 @p2 $0x1  }
0x17: {  	s4 =	simm.s32 $0x1BF5;
	[smem:$0x3FBB] =	sst s0  }
0x18: {  	s0 =	sld [smem:$0x3F9E];
	_ =	swait.ge [sflag:s4], $0x0  }
0x19: {  	s7 =	sld [smem:$0x3F9F]  }
0x1a: {  	s8 =	sadd.s32 $0xFFFFE003, lr  }
0x1b: {  	s9 =	sadd.s32 $0xFFFFFEF7, lr;
	s5 =	simm.s32 $0xFFFFFFFF;
	p2 =	slt.u32 s8, $0xFFFFF086  }
0x1c: {  	p1 =	slt.u32 s9, $0xF7A;
	s5 =	simm.s32 @!p2 $0x0  }
0x1d: {  	s5 =	simm.s32 @p1 $0x1;
	p0 =	seq.s32 s7, s2  }
0x1e: {  	s7 =	smul.u32 @!p0 $0xF7A, s2;
	p2 =	seq.s32 @!p0 s5, $0x0  }
0x1f: {  	s9 =	smul.u32 $0xF7A, s1;
	s8 =	simm.s32 @!p0 $0x1BF5;
	p2 =	por !p2, p0  }
0x20: {  	[sflag:s8] =	ssyncset.s32 @!p0 $0xFFFFF086;
	s6 =	sadd.s32 @!p0 s3, s7;
	s7 =	simm.s32 @!p0 $0x108  }
0x21: {  	s3 =	sadd.s32 s3, s9;
	s6 =	sadd.s32 @!p0 $0x88, s6;
	s7 =	simm.s32 @p2 $0x1082  }
0x22: {  	[simem:s7], [sflag:s8] =	dma.local @!p0 [hbm:s6], $0xF7A  }
0x23: {  	s9 =	sor.u32 $0xD0000000, s2;
	s6 =	simm.s32 $0x108;
	_ =	swait.ge @!p0 [sflag:s8], $0x0  }
0x24: {  	s3 =	sadd.s32 $0x88, s3;
	s6 =	simm.s32 @!p1 $0x1082;
	[sflag:s4] =	ssyncset.s32 $0xFFFFF086  }
0x25: {  	[simem:s6], [sflag:s4] =	dma.local [hbm:s3], $0xF7A  }
0x26: {  	[smem:$0x3F9F] =	sst s1;
	(tag) =	ssettag s2;
	_ =	strace s9  }
0x27: {  	s1 =	sld [smem:$0x3FAF]  }
0x28: {  	s2 =	sld [smem:$0x3FB0]  }
0x29: {  	s4 =	sld [smem:$0x3FB2]  }
0x2a: {  	p0 =	seq.s32 s5, $0x0;
	s5 =	sld [smem:$0x3FB3]  }
0x2b: {  	s6 =	sld [smem:$0x3FB4]  }
0x2c: {  	s7 =	sld [smem:$0x3FB5]  }
0x2d: {  	s3 =	simm.s32 $0x108;
	s8 =	sld [smem:$0x3FB6]  }
0x2e: {  	s3 =	simm.s32 @!p0 $0x1082;
	s9 =	sld [smem:$0x3FB7]  }
0x2f: {  	lr =	sadd.s32 s0, s3;
	s0 =	sld [smem:$0x3FAE]  }
0x30: {  	s3 =	sld [smem:$0x3FB1]  }
0x31: {  	[smem:$0x3FBA] =	sst s10  }
0x32: {  	s10 =	sld [smem:$0x3FB8];
	_ =	sdelay $0x3  }
0x33: {  	p0 =	seq.s32 s10, $0x1;
	s10 =	sld [smem:$0x3FBA];
	_ =	sdelay $0x3  }
0x34: {  	[smem:$0x3FBA] =	sst s10  }
0x35: {  	s10 =	sld [smem:$0x3FB9];
	_ =	sdelay $0x3  }
0x36: {  	p1 =	seq.s32 s10, $0x1;
	s10 =	sld [smem:$0x3FBA];
	_ =	sdelay $0x3  }
0x37: {  	[smem:$0x3FBA] =	sst s10  }
0x38: {  	s10 =	sld [smem:$0x3FBB]  }
0x39: {  	_ = 	snop;
	(pc) =	sbr.ind lr, $3  }
0x3a: {  	_ = 	snop  }
0x3b: {  	_ = 	snop  }
0x3c: {  	p2 =	seq.s32 s10, $0x1;
	s10 =	sld [smem:$0x3FBA]  }
0x3d: {  	_ =	shalt  }
0x3e: {  	_ =	shalt  }
0x3f: {  	_ =	shalt  }
0x40: {  	_ =	shalt  }
0x41: {  	_ =	shalt  }
0x42: {  	_ =	shalt  }
0x43: {  	_ =	shalt  }
0x44: {  	_ =	shalt  }
0x45: {  	_ =	shalt  }
0x46: {  	_ =	shalt  }
0x47: {  	_ =	shalt  }
0x48: {  	_ =	shalt  }
0x49: {  	_ =	shalt  }
0x4a: {  	_ =	shalt  }
0x4b: {  	_ =	shalt  }
0x4c: {  	_ =	shalt  }
0x4d: {  	_ =	shalt  }
0x4e: {  	_ =	shalt  }
0x4f: {  	_ =	shalt  }
0x50: {  	_ =	shalt  }
0x51: {  	_ =	shalt  }
0x52: {  	_ =	shalt  }
0x53: {  	_ =	shalt  }
0x54: {  	_ =	shalt  }
0x55: {  	_ =	shalt  }
0x56: {  	_ =	shalt  }
0x57: {  	_ =	shalt  }
0x58: {  	_ =	shalt  }
0x59: {  	_ =	shalt  }
0x5a: {  	_ =	shalt  }
0x5b: {  	_ =	shalt  }
0x5c: {  	_ =	shalt  }
0x5d: {  	_ =	shalt  }
0x5e: {  	_ =	shalt  }
0x5f: {  	_ =	shalt  }
0x60: {  	_ =	shalt  }
0x61: {  	_ =	shalt  }
0x62: {  	_ =	shalt  }
0x63: {  	_ =	shalt  }
0x64: {  	_ =	shalt  }
0x65: {  	_ =	shalt  }
0x66: {  	_ =	shalt  }
0x67: {  	_ =	shalt  }
0x68: {  	_ =	shalt  }
0x69: {  	_ =	shalt  }
0x6a: {  	_ =	shalt  }
0x6b: {  	_ =	shalt  }
0x6c: {  	_ =	shalt  }
0x6d: {  	_ =	shalt  }
0x6e: {  	_ =	shalt  }
0x6f: {  	_ =	shalt  }
0x70: {  	_ =	shalt  }
0x71: {  	_ =	shalt  }
0x72: {  	_ =	shalt  }
0x73: {  	_ =	shalt  }
0x74: {  	_ =	shalt  }
0x75: {  	_ =	shalt  }
0x76: {  	_ =	shalt  }
0x77: {  	_ =	shalt  }
0x78: {  	_ =	shalt  }
0x79: {  	_ =	shalt  }
0x7a: {  	_ =	shalt  }
0x7b: {  	_ =	shalt  }
0x7c: {  	_ =	shalt  }
0x7d: {  	_ =	shalt  }
0x7e: {  	_ =	shalt  }
0x7f: {  	_ =	shalt  }
0x80: {  	_ =	shalt  }
0x81: {  	_ =	shalt  }
0x82: {  	_ =	shalt  }
0x83: {  	_ =	shalt  }
0x84: {  	_ =	shalt  }
0x85: {  	_ =	shalt  }
0x86: {  	_ =	shalt  }
0x87: {  	_ =	shalt  }
.Lfunc_end0:
.L_simem_size_0:
called_computation_lowered:
.L_overlay_start_0:
0x88: {  	s2 =	sld [smem:$0x3FD9]  }
0x89: {  	s3 =	sld [smem:$0x3FFE];
	_ =	sdelay $0x1  }
0x8a: {  	s1 =	srdreg.scid  }
0x8b: {  	s0 =	sand.u32 $0x1, s1  }
0x8c: {  	s17 =	sshll.u32 s0, $0xA;
	s2 =	sadd.s32 s3, s2  }
0x8d: {  	s2 =	sadd.s32 s2, s17  }
0x8e: {  	[smem:$0x3FC6] =	sst s2  }
0x8f: {  	_ = 	snop  }
0x90: {  	s2 =	sld [smem:$0x3FD0];
	(tm) =	ssettm $0x1  }
0x91: {  	s18 =	sld [smem:$0x3FFB];
	_ =	sdelay $0x3  }
0x92: {  	_ =	strace s18  }
0x93: {  	s3 =	sld [smem:$0x3FFC];
	_ =	sdelay $0x3  }
0x94: {  	_ =	strace s3  }
0x95: {  	s3 =	sld [smem:$0x3FFD];
	_ =	sdelay $0x3  }
0x96: {  	_ =	strace s3  }
0x97: {  	_ =	strace $0x8FFFFFFF  }
0x98: {  	s19 =	sld [smem:$0x3FDB];
	_ =	sdelay $0x1  }
0x99: {  	s4 =	simm.s32 $_scs_section_size  }
0x9a: {  	s5 =	simm.s32 $_size__tile_overlayer_lowered;
	s6 =	simm.s32 $_tile_overlayer_lowered  }
0x9b: {  	s22 =	simm.s32 $0x1BFF;
	s21 =	sshll.u32 s6, $0x1;
	s3 =	sadd.s32 s4, s19  }
0x9c: {  	s7 =	simm.s32 $0x0;
	s20 =	sshll.u32 s5, $0x1;
	s5 =	sadd.s32 s21, s3  }
0x9d: {  	[timem:s7], [sflag:s22] =	dma.local [hbm:s5], s20  }
0x9e: {  	_ =	swait.ge [sflag:s22], s20  }
0x9f: {  	s4 =	ssub.s32 $0x0, s20;
	[sflag:s22] =	ssyncset.done $0x0  }
0xa0: {  	[sflag:s22] =	ssyncadd.s32 s4;
	_ =	sdelay $0x1  }
0xa1: {  	s23 =	simm.s32 $0x1B8B  }
0xa2: {  	_ =	swait.ge [sflag:s23], $0x1  }
0xa3: {  	[sflag:s23] =	ssyncset.done $0x0  }
0xa4: {  	s25 =	simm.s32 $0x1B8E;
	s24 =	sld [smem:$0x3FFE];
	[sflag:s23] =	ssyncadd.s32 $0xFFFFFFFF  }
0xa5: {  	s26 =	simm.s32 $execute0_lowered;
	[smem:$0x3FD2] =	sst s25  }
0xa6: {  	s5 =	sshll.u32 s26, $0x1;
	_ =	strace $0x80000046;
	[dreg:$0x1] =	wrdreg $0xFFFFFFFF  }
0xa7: {  	s28 =	simm.s32 $_size_execute0_lowered;
	s3 =	sadd.s32 s3, s5;
	[dreg:$0x0] =	wrdreg $0x0  }
0xa8: {  	s5 =	sshll.u32 s28, $0x1;
	[dreg:$0x2] =	wrdreg s3  }
0xa9: {  	[dreg:$0x3] =	wrdreg s5  }
0xaa: {  	[dreg:$0x4] =	wrdreg $0xC0  }
0xab: {  	_ =	task [dreg:s7], $0x5FFFF  }
0xac: {  	[dreg:$0x1] =	wrdreg $0xFFFFFFFF  }
0xad: {  	[dreg:$0x0] =	wrdreg $0x60  }
0xae: {  	[dreg:$0x2] =	wrdreg s24  }
0xaf: {  	[dreg:$0x3] =	wrdreg s2  }
0xb0: {  	[dreg:$0x4] =	wrdreg $0x9  }
0xb1: {  	_ =	task.clear_ibuf [dreg:s7], $0x5FFFF;
	_ =	strace $0x90000046  }
0xb2: {  	s29 =	simm.s32 $0x9;
	_ =	strace $0x80000048  }
0xb3: {  	_ =	swait.ge [sflag:s29], $0x1  }
0xb4: {  	[sflag:s29] =	ssyncadd.s32 $0xFFFFFFFF  }
0xb5: {  	_ =	strace $0x90000048  }
0xb6: {  	_ =	sfence  }
0xb7: {  	s30 =	sld [smem:$0x0];
	_ =	sdelay $0x2  }
0xb8: {  	s31 =	sshll.u32 s1, $0xD;
	s1 =	sshrl.u32 s1, $0x2  }
0xb9: {  	s3 =	sand.u32 $0x4000, s31;
	s1 =	sadd.s32 s1, s30  }
0xba: {  	s0 =	sor.u32 s3, s0;
	s1 =	sshll.u32 s1, $0x11  }
0xbb: {  	s0 =	sor.u32 s1, s0  }
0xbc: {  	s0 =	sadd.s32 $0x8F2B, s0  }
0xbd: {  	[sflag:s0] =	ssyncadd.remote.s32 $0x1  }
0xbe: {  	_ =	sfence.sel $0xFFFF  }
0xbf: {  	[dreg:$0x0] =	wrdreg $0xFFFFFFFF;
	(pc) =	sbr.abs _section_cstart, $3  }
0xc0: {  	[dreg:$0x1] =	wrdreg $0xFFFFFFFF  }
0xc1: {  	_ =	task.clear_ibuf [dreg:s7], $0x2FFFF;
	_ =	strace $0x9FFFFFFF  }
0xc2: {  	(tm) =	ssettm $0x7FFFFFFF  }
0xc3: {  	_ =	shalt  }
tec
execute0_lowered:
.L_overlay_start_1:
0x0: {  	(tag) =	ssettag $0x1  }
0x1: {  	s1 =	srdreg.scid;
	s0 =	stileid.u32  }
0x2: {  	s3 =	sand.u32 $0x1, s1;
	s25 =	sshll.u32 s0, $0x1  }
0x3: {  	s4 =	sor.u32 s3, s25  }
0x4: {  	s1 =	smul.u32 $0x56, s4;
	_ =	sdelay $0x1  }
0x5: {  	s5 =	rddreg [dreg:$0x0];
	s6 =	sshrl.u32 s1, $0x8  }
0x6: {  	s7 =	rddreg [dreg:$0x1];
	s2 =	simm.s32 $0x0;
	s8 =	smul.u32 $0xFFFFFFFD, s6  }
0x7: {  	[smem:$0x7FF] =	sst s2;
	s3 =	ssub.s32 $0x2, s3;
	s26 =	smul.u32 $0x48000, s6  }
0x8: {  	s30 =	sshrl.u32 s3, $0x1;
	s11 =	sshll.u32 s6, $0xA;
	s6 =	smul.u32 $0xA0, s6  }
0x9: {  	s13 =	simm.s32 $0x0;
	s31 =	ssub.s32 s3, s30;
	s1 =	rddreg [dreg:$0x2]  }
0xa: {  	_ =	strace $0x80000047;
	s8 =	sadd.s32 s4, s8;
	s3 =	sadd.s32 s7, s6  }
0xb: {  	s9 =	smul.u32 $0x18000, s8;
	s10 =	sshll.u32 s8, $0x8;
	s12 =	sshll.u32 s8, $0x7  }
0xc: {  	s7 =	smax.u32 s31, $0x1;
	s10 =	sand.u32 $0xFFFFFC00, s10;
	s29 =	sand.u32 $0x180, s12  }
0xd: {  	s12 =	simm.s32 $0x18500;
	s4 =	sadd.s32 s26, s9;
	s28 =	sadd.s32 s11, s10  }
0xe: {  	s10 =	simm.s32 $0x80;
	s4 =	sshrl.u32 s4, $0x3;
	s9 =	sor.u32 s29, s28  }
0xf: {  	s11 =	simm.s32 $0x200;
	s9 =	sshrl.u32 s9, $0x3;
	s4 =	sadd.s32 s4, s5  }
0x10: {  	s9 =	sadd.s32 s9, s5;
	s4 =	sadd.s32 $0xF0C00, s4;
	s5 =	smul.u32 $0xC0, s8  }
0x11: {  	s8 =	simm.s32 $0x18000;
	s6 =	sadd.s32 $0xC00, s9;
	s9 =	simm.s32 $0x1  }
.LBB2_1:
0x12: {  	[tilespmem:s8], [sflag:$0x1] =	stream.linear.gather [hbm4b:s3+s2], $0x500, $0x38;
	[tilespmem:$0x18600] =	vst v63  }
0x13: {  	_ =	swait.ge [sflag:s9], $0x500  }
0x14: {  	[sflag:s9] =	ssyncset.done $0x0  }
0x15: {  	[sflag:s9] =	ssyncadd.s32 $0xFFFFFB00  }
0x16: {  	[tilespmem:s2], [sflag:$0x1] =	stream.linear.gather [hbm4b:s4+s2], $0x18000, $0x38;
	[tilespmem:$0x18600] =	vst v63  }
0x17: {  	_ =	swait.ge [sflag:s9], $0x18000  }
0x18: {  	s14 =	simm.s32 $0x0;
	[sflag:s9] =	ssyncset.done $0x0  }
0x19: {  	s15 =	simm.s32 $0x0;
	s16 =	simm.s32 $0x0;
	[sflag:s9] =	ssyncadd.s32 $0xFFFE8000  }
.LBB2_2:
0x1a: {  	s18 =	sshll.u32 s15, $0x2;
	s19 =	sand.u32 $0x7, s14  }
0x1b: {  	s18 =	sand.u32 $0xFFFFF000, s18;
	s19 =	sshll.u32 s19, $0x6  }
0x1c: {  	s18 =	sor.u32 s19, s18  }
0x1d: {  	s17 =	sshll.u32 s16, $0x4;
	s18 =	sshrl.u32 s18, $0x2  }
0x1e: {  	s20 =	sadd.s32 s5, s17;
	s29 =	sor.u32 $0x200, s18  }
0x1f: {  	s21 =	sshll.u32 s20, $0x1;
	v2 =	vmov s29  }
0x20: {  	s26 =	sand.u32 $0x70, s20;
	s28 =	sand.u32 $0xFFFFFF00, s21  }
0x21: {  	s19 =	sor.u32 s26, s28  }
0x22: {  	s31 =	sshll.u32 s16, $0x7;
	s30 =	sadd.s32 $0x18000, s19;
	v0 =	vld [tilespmem:s19+$0x18000]  }
0x23: {  	s20 =	simm.s32 $0x0;
	s18 =	sand.u32 $0x400, s31;
	s19 =	sand.u32 $0x70, s17;
	v1 =	vld [tilespmem:s30+$0x80]  }
.LBB2_3:
0x24: {  	_ =	sdelay $0x2  }
0x25: {  	s22 =	simm.s32 $0x0  }
0x26: {  	v4 =	vld.idx.msk [tilespmem:v2+s22+$0xFFFFFF00 ss:$0x1], $0xffff  }
0x27: {  	v7 =	vld.idx.msk [tilespmem:v2+s22+$0xFFFFFE80 ss:$0x1], $0xffff  }
0x28: {  	v8 =	vld.idx.msk [tilespmem:v2+s22+$0xFFFFFE00 ss:$0x1], $0xffff  }
0x29: {  	v6 =	vld.idx.msk [tilespmem:v2+s22+$0xFFFFFF80 ss:$0x1], $0xffff  }
0x2a: {  	v10 =	vld.idx.msk [tilespmem:v2+s22+$0x100 ss:$0x1], $0xffff  }
0x2b: {  	v18 =	vld.idx.msk [tilespmem:v2+s22+$0x0 ss:$0x1], $0xffff;
	v3 =	vadd.f32 v1, v0  }
0x2c: {  	v19 =	vld.idx.msk [tilespmem:v2+s22+$0x80 ss:$0x1], $0xffff  }
0x2d: {  	v13 =	vimm.f32 $0.0e+00;
	s21 =	simm.s32 $0x800;
	v20 =	vld.idx.msk [tilespmem:v2+s22+$0x180 ss:$0x1], $0xffff;
	v3 =	vmul.f32 $5.000000000e-01, v3  }
0x2e: {  	v17 =	vadd.f32 $1.000000000e+00, v13;
	v5 =	vld.idx.msk [tilespmem:v2+s21+$0xFFFFFF00 ss:$0x1], $0xffff  }
0x2f: {  	v9 =	vld.idx.msk [tilespmem:v2+s21+$0xFFFFFF80 ss:$0x1], $0xffff;
	vm0 =	vge.f32 v4, v3;
	vm1 =	vge.f32 v10, v3  }
0x30: {  	v4 =	vld.idx.msk [tilespmem:v2+s21+$0xFFFFFE80 ss:$0x1], $0xffff;
	vm2 =	vge.f32 v8, v3;
	v12 =	vsel vm0, v17, v13;
	vm0 =	vge.f32 v6, v3  }
0x31: {  	v6 =	vld.idx.msk [tilespmem:v2+s21+$0xFFFFFE00 ss:$0x1], $0xffff;
	v11 =	vsel vm0, v17, v13;
	v14 =	vadd.f32 $1.000000000e+00, v12;
	vm0 =	vge.f32 v7, v3  }
0x32: {  	v10 =	vld.idx.msk [tilespmem:v2+s21+$0x100 ss:$0x1], $0xffff;
	v15 =	vadd.f32 $1.000000000e+00, v11;
	v16 =	vsel vm0, v17, v13;
	v13 =	vsel vm2, v17, v13  }
0x33: {  	v7 =	vld.idx.msk [tilespmem:v2+s21+$0x0 ss:$0x1], $0xffff;
	vm0 =	vge.f32 v18, v3;
	v12 =	vsel vm1, v14, v12;
	v17 =	vadd.f32 $1.000000000e+00, v16  }
0x34: {  	s22 =	simm.s32 $0x4000;
	v8 =	vld.idx.msk [tilespmem:v2+s21+$0x80 ss:$0x1], $0xffff;
	vm2 =	vge.f32 v20, v3;
	vm1 =	vge.f32 v19, v3;
	v14 =	vadd.f32 $1.000000000e+00, v12  }
.LBB2_4:
0x35: {  	p0 =	sne.s32 s22, $0x5E000;
	v18 =	vld.idx.msk [tilespmem:v2+s21+$0x180 ss:$0x1], $0xffff;
	s21 =	sshra.s32 s22, $0x2;
	s22 =	sadd.s32 $0x2000, s22;
	v19 =	vadd.f32 $1.000000000e+00, v13;
	v16 =	vsel vm1, v17, v16;
	v11 =	vsel vm2, v15, v11;
	v15 =	vmovc v4  }
0x36: {  	vm1 =	vge.f32 v5, v3;
	v21 =	vmovc v6;
	v17 =	vadd.f32 $1.000000000e+00, v16;
	v5 =	vld.idx.msk [tilespmem:v2+s21+$0xFFFFFF00 ss:$0x1], $0xffff;
	v22 =	vadd.f32 $1.000000000e+00, v11  }
0x37: {  	v12 =	vsel vm1, v14, v12;
	vm1 =	vge.f32 v9, v3;
	v4 =	vld.idx.msk [tilespmem:v2+s21+$0xFFFFFE80 ss:$0x1], $0xffff;
	v13 =	vsel vm0, v19, v13  }
.Ltmp0:
0x38: {  	v14 =	vadd.f32 $1.000000000e+00, v12;
	v20 =	vmovc v7;
	v6 =	vld.idx.msk [tilespmem:v2+s21+$0xFFFFFE00 ss:$0x1], $0xffff;
	v19 =	vadd.f32 $1.000000000e+00, v13;
	v11 =	vsel vm1, v22, v11;
	(pc) =	sbr.rel @p0 .LBB2_4-.Ltmp0, $4  }
0x39: {  	vm0 =	vge.f32 v15, v3;
	vm1 =	vge.f32 v10, v3;
	v9 =	vld.idx.msk [tilespmem:v2+s21+$0xFFFFFF80 ss:$0x1], $0xffff;
	v15 =	vadd.f32 $1.000000000e+00, v11  }
0x3a: {  	vm2 =	vge.f32 v21, v3;
	v16 =	vsel vm0, v17, v16;
	v12 =	vsel vm1, v14, v12;
	v7 =	vld.idx.msk [tilespmem:v2+s21+$0x0 ss:$0x1], $0xffff  }
0x3b: {  	v17 =	vadd.f32 $1.000000000e+00, v16;
	v14 =	vadd.f32 $1.000000000e+00, v12;
	v13 =	vsel vm2, v19, v13;
	v10 =	vld.idx.msk [tilespmem:v2+s21+$0x100 ss:$0x1], $0xffff  }
0x3c: {  	vm0 =	vge.f32 v20, v3;
	vm1 =	vge.f32 v8, v3;
	vm2 =	vge.f32 v18, v3;
	v8 =	vld.idx.msk [tilespmem:v2+s21+$0x80 ss:$0x1], $0xffff  }
0x3d: {  	_ =	sdelay $0x1  }
0x3e: {  	v18 =	vadd.f32 $1.000000000e+00, v13;
	v16 =	vsel vm1, v17, v16;
	v11 =	vsel vm2, v15, v11  }
0x3f: {  	vm7 =	vge.f32 v5, v3;
	vm9 =	vge.f32 v4, v3;
	vm11 =	vge.f32 v6, v3  }
0x40: {  	v56 =	vld.idx.msk [tilespmem:v2+s21+$0x180 ss:$0x1], $0xffff;
	v54 =	vadd.f32 $1.000000000e+00, v16;
	v55 =	vadd.f32 $1.000000000e+00, v11;
	v57 =	vsel vm0, v18, v13  }
0x41: {  	v12 =	vsel vm7, v14, v12;
	vm8 =	vge.f32 v9, v3;
	v13 =	vadd.f32 $1.000000000e+00, v57  }
0x42: {  	v58 =	vadd.f32 $1.000000000e+00, v12;
	vm12 =	vge.f32 v7, v3;
	v5 =	vsel vm8, v55, v11  }
0x43: {  	v60 =	vsel vm9, v54, v16;
	v59 =	vadd.f32 $1.000000000e+00, v5;
	v9 =	vsel vm11, v13, v57  }
0x44: {  	vm10 =	vge.f32 v10, v3;
	v61 =	vadd.f32 $1.000000000e+00, v60;
	v62 =	vadd.f32 $1.000000000e+00, v9  }
0x45: {  	v10 =	vsel vm10, v58, v12;
	vm13 =	vge.f32 v8, v3;
	vm14 =	vge.f32 v56, v3  }
0x46: {  	s20 =	sadd.s32 $0x1, s20;
	v6 =	vsel vm13, v61, v60;
	v4 =	vsel vm14, v59, v5;
	v63 =	vsel vm12, v62, v9  }
0x47: {  	p0 =	sne.s32 s20, $0x6;
	v4 =	vadd.f32 v4, v10;
	v5 =	vadd.f32 v6, v63  }
.Ltmp1:
0x48: {  	_ = 	snop;
	(pc) =	sbr.rel @p0 .LBB2_3-.Ltmp1, $3  }
0x49: {  	v4 =	vadd.f32 v4, v5;
	_ =	sdelay $0x1  }
0x4a: {  	vm15 =	vge.f32 v4, $1.920000000e+02  }
0x4b: {  	v0 =	vsel vm15, v3, v0;
	v1 =	vsel vm15, v1, v3  }
0x4c: {  	v1 =	vmov s19  }
0x4d: {  	s30 =	simm.s32 $0x0  }
0x4e: {  	s20 =	sand.u32 $0x1F800, s30  }
0x4f: {  	s19 =	sand.u32 $0x200, s30;
	s20 =	sor.u32 s20, s18  }
0x50: {  	s19 =	sadd.s32 s19, s20  }
0x51: {  	v2 =	vld.idx.msk [tilespmem:v1+s19+$0x180 ss:$0x1], $0xffff  }
0x52: {  	v6 =	vld.idx.msk [tilespmem:v1+s19+$0x0 ss:$0x1], $0xffff  }
0x53: {  	s31 =	simm.s32 $0x400;
	v7 =	vld.idx.msk [tilespmem:v1+s19+$0x80 ss:$0x1], $0xffff  }
0x54: {  	s21 =	simm.s32 $0x200;
	s20 =	sand.u32 $0x1F800, s31  }
0x55: {  	s21 =	sand.u32 $0x200, s21;
	s20 =	sor.u32 s20, s18  }
0x56: {  	v3 =	vld.idx.msk [tilespmem:v1+s19+$0x100 ss:$0x1], $0xffff;
	s20 =	sadd.s32 s21, s20  }
0x57: {  	v5 =	vimm.f32 $0.0e+00;
	v4 =	vld.idx.msk [tilespmem:v1+s20+$0x180 ss:$0x1], $0xffff;
	v8 =	vsub.f32 v2, v0  }
0x58: {  	v9 =	vimm.f32 $0.0e+00;
	v2 =	vld.idx.msk [tilespmem:v1+s20+$0x0 ss:$0x1], $0xffff;
	v11 =	vsub.f32 v6, v0;
	v10 =	vsub.f32 v7, v0  }
0x59: {  	s19 =	simm.s32 $0x400;
	s21 =	simm.s32 $0x800;
	v7 =	vld.idx.msk [tilespmem:v1+s20+$0x80 ss:$0x1], $0xffff;
	v6 =	vimm.f32 $0.0e+00;
	v12 =	vmax.f32 v8, $0.0e+00;
	v8 =	vimm.f32 $0.0e+00  }
.LBB2_7:
0x5a: {  	s22 =	sand.u32 $0x1F800, s21  }
0x5b: {  	p0 =	sne.s32 s19, $0xBE00;
	v11 =	vmax.f32 v11, $0.0e+00;
	v13 =	vsub.f32 v3, v0;
	v3 =	vld.idx.msk [tilespmem:v1+s20+$0x100 ss:$0x1], $0xffff;
	v5 =	vadd.f32 v12, v5;
	s20 =	smov.u32 s19;
	s19 =	sadd.s32 $0x200, s19  }
.Ltmp2:
0x5c: {  	s20 =	sand.u32 $0x200, s20;
	s22 =	sor.u32 s22, s18;
	v9 =	vadd.f32 v11, v9;
	v10 =	vmax.f32 v10, $0.0e+00;
	(pc) =	sbr.rel @p0 .LBB2_7-.Ltmp2, $4  }
0x5d: {  	s20 =	sadd.s32 s20, s22;
	v8 =	vadd.f32 v10, v8;
	v10 =	vmax.f32 v13, $0.0e+00  }
0x5e: {  	v12 =	vsub.f32 v4, v0;
	v4 =	vld.idx.msk [tilespmem:v1+s20+$0x180 ss:$0x1], $0xffff;
	v6 =	vadd.f32 v10, v6  }
0x5f: {  	v11 =	vsub.f32 v2, v0;
	v2 =	vld.idx.msk [tilespmem:v1+s20+$0x0 ss:$0x1], $0xffff  }
0x60: {  	s21 =	sadd.s32 $0x400, s21;
	v10 =	vsub.f32 v7, v0;
	v12 =	vmax.f32 v12, $0.0e+00;
	v7 =	vld.idx.msk [tilespmem:v1+s20+$0x80 ss:$0x1], $0xffff  }
0x61: {  	_ =	sdelay $0x3  }
0x62: {  	v1 =	vld.idx.msk [tilespmem:v1+s20+$0x100 ss:$0x1], $0xffff;
	_ =	sdelay $0x1  }
0x63: {  	v11 =	vmax.f32 v11, $0.0e+00;
	v3 =	vsub.f32 v3, v0;
	v5 =	vadd.f32 v12, v5  }
0x64: {  	v9 =	vadd.f32 v11, v9;
	v10 =	vmax.f32 v10, $0.0e+00;
	v4 =	vsub.f32 v4, v0  }
0x65: {  	v8 =	vadd.f32 v10, v8;
	v3 =	vmax.f32 v3, $0.0e+00;
	v2 =	vsub.f32 v2, v0  }
0x66: {  	v7 =	vsub.f32 v7, v0;
	v4 =	vmax.f32 v4, $0.0e+00;
	v1 =	vsub.f32 v1, v0  }
0x67: {  	v3 =	vadd.f32 v3, v6;
	v2 =	vmax.f32 v2, $0.0e+00;
	v4 =	vadd.f32 v4, v5  }
0x68: {  	v2 =	vadd.f32 v2, v9;
	v62 =	vmax.f32 v7, $0.0e+00;
	v1 =	vmax.f32 v1, $0.0e+00  }
0x69: {  	v5 =	vadd.f32 v62, v8;
	v1 =	vadd.f32 v1, v3;
	_ =	sdelay $0x1  }
0x6a: {  	v2 =	vadd.f32 v5, v2;
	v1 =	vadd.f32 v4, v1;
	_ =	sdelay $0x1  }
0x6b: {  	v63 =	vmul.f32 $1.920000000e+02, v0;
	s16 =	sadd.s32 $0x1, s16;
	v1 =	vadd.f32 v1, v2  }
0x6c: {  	p0 =	sne.s32 s16, $0xC  }
.Ltmp3:
0x6d: {  	v0 =	vadd.f32 v1, v63;
	(pc) =	sbr.rel @p0 .LBB2_2-.Ltmp3, $3  }
0x6e: {  	_ = 	snop  }
0x6f: {  	v0 =	vmul.f32 $5.208333490e-03, v0;
	_ =	sdelay $0x1  }
0x70: {  	s15 =	sadd.s32 $0x80, s15;
	s14 =	sadd.s32 $0x1, s14;
	[tilespmem:s17+$0x18500] =	vst v0  }
0x71: {  	s13 =	sadd.s32 $0x1, s13  }
0x72: {  	p0 =	sne.s32 s13, s7  }
.Ltmp4:
0x73: {  	_ = 	snop;
	(pc) =	sbr.rel @p0 .LBB2_1-.Ltmp4, $4  }
0x74: {  	[hbm4b:s6+s10] =	stream.strided.scatter [tilespmem:s12], [sflag:$0x1], $0x100, s11, s10, $0x38;
	[tilespmem:$0x18600] =	vst v63  }
0x75: {  	_ =	swait.ge [sflag:s9], $0x100  }
0x76: {  	[sflag:s9] =	ssyncset.done $0x0  }
0x77: {  	[sflag:s9] =	ssyncadd.s32 $0xFFFFFF00  }
0x78: {  	_ =	sfence.sel $0x180000  }
0x79: {  	[bflag:$0x0] =	sbarrier.arrive $0xFFFF  }
0x7a: {  	p0 =	sne.s32 s0, $0x0;
	_ =	strace $0x90000047  }
0x7b: {  	s0 =	sadd.s32 @!p0 $0x100000, s1;
	[bflag:$0x2] =	sbarrier.arrive $0xFFFF  }
0x7c: {  	[sflag:s0] =	ssyncadd.tile.s32 @!p0 $0x1;
	_ =	shalt  }
.Lfunc_end2:
_tile_overlayer_lowered:
.L_overlay_start_2:
0x7d: {  	(tag) =	ssettag $0x2  }
0x7e: {  	s0 =	rddreg [dreg:$0x0];
	s2 =	stileid.u32  }
0x7f: {  	s1 =	rddreg [dreg:$0x1];
	p0 =	sne.s32 s2, $0x0  }
0x80: {  	s3 =	rddreg [dreg:$0x2];
	[bflag:$0x3] =	sbarrier.arrive $0xFFFF;
	s2 =	simm.s32 @!p0 $0x1C01  }
0x81: {  	[timem:s3], [sflag:s2] =	dma.local @!p0 [hbm:s0], s1  }
0x82: {  	s0 =	simm.s32 @!p0 $0x1  }
0x83: {  	_ =	swait.ge @!p0 [sflag:s0], s1  }
0x84: {  	s1 =	ssub.s32 @!p0 $0x0, s1;
	[sflag:s0] =	ssyncset.done @!p0 $0x0  }
0x85: {  	[sflag:s0] =	ssyncadd.s32 @!p0 s1  }
0x86: {  	[bflag:$0x3] =	sbarrier.arrive $0xFFFF  }
0x87: {  	_ =	shalt  }

</sc_bundles>
